<compile_context>
chip_gen: v7x
topology: tpu7x:2x2x1
jax: 0.10.2.dev20260603
libtpu: 0.0.44.dev20260713+nightly
codegen_flags: <defaults>
</compile_context>

<pallas_src>
import functools

import jax
import jax.numpy as jnp
from jax import lax
from jax.experimental import pallas as pl
from jax.experimental.pallas import tpu as pltpu
from jax.experimental.pallas import tpu_sc as plsc

_IN = 128
_N0 = 10000
_N1 = 5000
_N2 = 1024
_E0 = 320000
_E1 = 160000

_NC = 2
_NS = 16
_NW = _NC * _NS
_CB = 256


def _pad_edges(e):
    q = _NW * _CB * 2
    return ((e + q - 1) // q) * q


def _n_acc(n_tgt):
    return ((n_tgt + 1 + _NS * 8 - 1) // (_NS * 8)) * (_NS * 8)


def _make_agg(n_tgt, e_pad, n_tab, stage_tab):
    n_acc = _n_acc(n_tgt)
    rps = n_acc // _NS
    e_per_w = e_pad // _NW
    n_chunks = e_per_w // _CB
    n_pairs = n_chunks // 2
    tps = ((n_tab // _NS + 7) // 8) * 8

    mesh = plsc.VectorSubcoreMesh(core_axis_name="c", subcore_axis_name="s")

    @functools.partial(
        pl.kernel,
        out_type=(
            jax.ShapeDtypeStruct((_NC, n_acc, _IN), jnp.float32),
            jax.ShapeDtypeStruct((_NW, n_acc), jnp.float32),
        ),
        mesh=mesh,
        scratch_types=[
            pltpu.VMEM_SHARED((n_acc, _IN), jnp.float32),
            pltpu.VMEM_SHARED((n_tab if stage_tab else 8, _IN), jnp.float32),
            pltpu.VMEM((n_acc,), jnp.float32),
            pltpu.VMEM((_CB,), jnp.int32),
            pltpu.VMEM((_CB,), jnp.int32),
            pltpu.VMEM((_CB,), jnp.int32),
            pltpu.VMEM((_CB,), jnp.int32),
            pltpu.VMEM((2, _CB, _IN), jnp.float32),
            pltpu.SemaphoreType.DMA,
            pltpu.SemaphoreType.DMA,
            pltpu.SemaphoreType.DMA,
            pltpu.SemaphoreType.DMA,
        ],
        compiler_params=pltpu.CompilerParams(needs_layout_passes=False),
    )
    def agg(tab, pk, zsum, zcnt, osum, ocnt,
            acc, tabs, cnt_v, src0, src1, tgt0, tgt1, rows2,
            semg0, semg1, semi0, semi1):
        cid = lax.axis_index("c")
        sid = lax.axis_index("s")
        wid = cid * _NS + sid
        r0 = sid * rps
        rowbase = wid * n_chunks
        pltpu.sync_copy(zsum.at[pl.ds(r0, rps)], acc.at[pl.ds(r0, rps)])
        pltpu.sync_copy(zcnt, cnt_v)
        if stage_tab:
            t0 = sid * tps

            @pl.when(sid < _NS - 1)
            def _():
                pltpu.sync_copy(tab.at[pl.ds(t0, tps)],
                                tabs.at[pl.ds(t0, tps)])

            last = n_tab - (_NS - 1) * tps

            @pl.when(sid == _NS - 1)
            def _():
                pltpu.sync_copy(tab.at[pl.ds((_NS - 1) * tps, last)],
                                tabs.at[pl.ds((_NS - 1) * tps, last)])

        plsc.subcore_barrier()
        gtab = tabs if stage_tab else tab

        ones16 = jnp.ones((16,), jnp.float32)
        srcs = [src0, src1]
        tgts = [tgt0, tgt1]
        semg = [semg0, semg1]
        semi = [semi0, semi1]

        def fire_idx(c, p):
            row = rowbase + c
            pltpu.async_copy(pk.at[row, pl.ds(0, _CB)], srcs[p], semi[p])
            pltpu.async_copy(pk.at[row, pl.ds(_CB, _CB)], tgts[p], semi[p])

        def wait_idx(p):
            pltpu.make_async_copy(pk.at[0, pl.ds(0, _CB)], srcs[p],
                                  semi[p]).wait()
            pltpu.make_async_copy(pk.at[0, pl.ds(_CB, _CB)], tgts[p],
                                  semi[p]).wait()

        def fire_gather(p):
            pltpu.async_copy(gtab.at[srcs[p]], rows2.at[p], semg[p])

        def wait_gather(p):
            pltpu.make_async_copy(gtab.at[srcs[p]], rows2.at[p],
                                  semg[p]).wait()

        def consume(p):
            pltpu.sync_copy(rows2.at[p], acc.at[tgts[p]], add=True)
            for k in range(_CB // 16):
                plsc.addupdate_scatter(cnt_v, [tgts[p][pl.ds(k * 16, 16)]],
                                       ones16)

        fire_idx(0, 0)
        wait_idx(0)
        fire_gather(0)
        fire_idx(1, 1)

        def pair(j, carry):
            c0 = 2 * j
            wait_gather(0)
            wait_idx(1)
            fire_gather(1)
            consume(0)

            @pl.when(j + 1 < n_pairs)
            def _():
                fire_idx(c0 + 2, 0)

            wait_gather(1)
            consume(1)

            @pl.when(j + 1 < n_pairs)
            def _():
                fire_idx(c0 + 3, 1)
                wait_idx(0)
                fire_gather(0)

            return carry

        lax.fori_loop(0, n_pairs, pair, 0)
        plsc.subcore_barrier()
        pltpu.sync_copy(acc.at[pl.ds(r0, rps)], osum.at[cid, pl.ds(r0, rps)])
        pltpu.sync_copy(cnt_v, ocnt.at[wid])

    return agg


def _dense0(ps, pc, x, wl, wr, b2):
    blk = 1000

    def body(ps_ref, pc_ref, xt_ref, wl_ref, wr_ref, b_ref, o_ref):
        s = ps_ref[0] + ps_ref[1]
        c = jnp.sum(pc_ref[...], axis=1, keepdims=True)
        mean = s / jnp.maximum(c, 1.0)
        h = (jnp.dot(mean, wl_ref[...], preferred_element_type=jnp.float32)
             + jnp.dot(xt_ref[...], wr_ref[...], preferred_element_type=jnp.float32)
             + b_ref[...])
        o_ref[...] = jnp.maximum(h, 0.0)

    return pl.pallas_call(
        body,
        grid=(_N1 // blk,),
        in_specs=[
            pl.BlockSpec((_NC, blk, _IN), lambda i: (0, i, 0)),
            pl.BlockSpec((blk, _NW), lambda i: (i, 0)),
            pl.BlockSpec((blk, _IN), lambda i: (i, 0)),
            pl.BlockSpec((_IN, _IN), lambda i: (0, 0)),
            pl.BlockSpec((_IN, _IN), lambda i: (0, 0)),
            pl.BlockSpec((1, _IN), lambda i: (0, 0)),
        ],
        out_specs=pl.BlockSpec((blk, _IN), lambda i: (i, 0)),
        out_shape=jax.ShapeDtypeStruct((_N1, _IN), jnp.float32),
    )(ps, pc, x, wl, wr, b2)


def _dense1(ps, pc, h, wl, wr, b2):

    def body(ps_ref, pc_ref, ht_ref, wl_ref, wr_ref, b_ref, o_ref):
        s = ps_ref[0] + ps_ref[1]
        c = jnp.sum(pc_ref[...], axis=1, keepdims=True)
        mean = s / jnp.maximum(c, 1.0)
        z = (jnp.dot(mean, wl_ref[...], preferred_element_type=jnp.float32)
             + jnp.dot(ht_ref[...], wr_ref[...], preferred_element_type=jnp.float32)
             + b_ref[...])
        m = jnp.max(z, axis=-1, keepdims=True)
        e = jnp.exp(z - m)
        o_ref[...] = z - m - jnp.log(jnp.sum(e, axis=-1, keepdims=True))

    return pl.pallas_call(
        body,
        grid=(1,),
        in_specs=[
            pl.BlockSpec((_NC, _N2, _IN), lambda i: (0, 0, 0)),
            pl.BlockSpec((_N2, _NW), lambda i: (0, 0)),
            pl.BlockSpec((_N2, _IN), lambda i: (0, 0)),
            pl.BlockSpec((_IN, _IN), lambda i: (0, 0)),
            pl.BlockSpec((_IN, _IN), lambda i: (0, 0)),
            pl.BlockSpec((1, _IN), lambda i: (0, 0)),
        ],
        out_specs=pl.BlockSpec((_N2, _IN), lambda i: (0, 0)),
        out_shape=jax.ShapeDtypeStruct((_N2, _IN), jnp.float32),
    )(ps, pc, h, wl, wr, b2)


def kernel(x, Wl0, Wr0, b0, Wl1, Wr1, b1, edge_index_0, edge_index_1,
           size_0, size_1):
    e0p = _pad_edges(_E0)
    e1p = _pad_edges(_E1)
    src0 = jnp.concatenate(
        [edge_index_0[0].astype(jnp.int32),
         jnp.zeros((e0p - _E0,), jnp.int32)])
    tgt0 = jnp.concatenate(
        [edge_index_0[1].astype(jnp.int32),
         jnp.full((e0p - _E0,), _N1, jnp.int32)])
    src1 = jnp.concatenate(
        [edge_index_1[0].astype(jnp.int32),
         jnp.zeros((e1p - _E1,), jnp.int32)])
    tgt1 = jnp.concatenate(
        [edge_index_1[1].astype(jnp.int32),
         jnp.full((e1p - _E1,), _N2, jnp.int32)])
    pk0 = jnp.concatenate([src0.reshape(-1, _CB), tgt0.reshape(-1, _CB)],
                          axis=1)
    pk1 = jnp.concatenate([src1.reshape(-1, _CB), tgt1.reshape(-1, _CB)],
                          axis=1)

    na0 = _n_acc(_N1)
    na1 = _n_acc(_N2)
    zs0 = jnp.zeros((na0, _IN), jnp.float32)
    zc0 = jnp.zeros((na0,), jnp.float32)
    zs1 = jnp.zeros((na1, _IN), jnp.float32)
    zc1 = jnp.zeros((na1,), jnp.float32)

    agg0 = _make_agg(_N1, e0p, _N0, stage_tab=False)
    ps0, pc0 = agg0(x, pk0, zs0, zc0)
    h = _dense0(ps0, pc0.T, x, Wl0, Wr0, b0.reshape(1, _IN))

    agg1 = _make_agg(_N2, e1p, _N1, stage_tab=True)
    ps1, pc1 = agg1(h, pk1, zs1, zc1)
    out = _dense1(ps1, pc1.T, h, Wl1, Wr1, b1.reshape(1, _IN))
    return out

# --- scband reference (transcript-rebuilt; emitter-appended) ---
"""Pipeline reference for scband-sage-17231408791578 (READ-ONLY COPY).

The authoritative reference and input builder live on the scoring server;
editing this copy changes nothing except your own understanding.
"""

import jax, jax.numpy as jnp
import numpy as np

IN_CH = 128
HID_CH = 128
OUT_CH = 128
N0 = 10000
N1 = 5000
N2 = 1024
E0 = 320000
E1 = 160000


def _sage_conv(x_src, x_tgt, edge_index, Wl, Wr, b):
    # PyG SAGEConv (mean aggregation), bipartite form (x_src, x_tgt)
    src = edge_index[0]
    tgt = edge_index[1]
    n_tgt = x_tgt.shape[0]
    msgs = x_src[src]                                   # gather
    summed = jax.ops.segment_sum(msgs, tgt, num_segments=n_tgt)   # scatter-add
    cnt = jax.ops.segment_sum(jnp.ones((tgt.shape[0],), dtype=x_src.dtype), tgt, num_segments=n_tgt)
    mean = summed / jnp.clip(cnt, 1.0)[:, None]
    return mean @ Wl + b + x_tgt @ Wr


def setup_inputs(seed: int = 0) -> dict:
    key = jax.random.key(seed)
    ks = jax.random.split(key, 12)
    x = jax.random.normal(ks[0], (N0, IN_CH), dtype=jnp.float32)
    src0 = jax.random.randint(ks[1], (E0,), 0, N0, dtype=jnp.int64)
    tgt0 = jax.random.randint(ks[2], (E0,), 0, N1, dtype=jnp.int64)
    edge_index_0 = jnp.stack([src0, tgt0], axis=0)
    src1 = jax.random.randint(ks[3], (E1,), 0, N1, dtype=jnp.int64)
    tgt1 = jax.random.randint(ks[4], (E1,), 0, N2, dtype=jnp.int64)
    edge_index_1 = jnp.stack([src1, tgt1], axis=0)
    Wl0 = jax.random.normal(ks[5], (IN_CH, HID_CH), dtype=jnp.float32) * 0.05
    Wr0 = jax.random.normal(ks[6], (IN_CH, HID_CH), dtype=jnp.float32) * 0.05
    b0 = jnp.zeros((HID_CH,), dtype=jnp.float32)
    Wl1 = jax.random.normal(ks[7], (HID_CH, OUT_CH), dtype=jnp.float32) * 0.05
    Wr1 = jax.random.normal(ks[8], (HID_CH, OUT_CH), dtype=jnp.float32) * 0.05
    b1 = jnp.zeros((OUT_CH,), dtype=jnp.float32)
    return {"x": x, "Wl0": Wl0, "Wr0": Wr0, "b0": b0,
            "Wl1": Wl1, "Wr1": Wr1, "b1": b1,
            "edge_index_0": edge_index_0, "edge_index_1": edge_index_1,
            "size_0": N1, "size_1": N2}


def reference(x, Wl0, Wr0, b0, Wl1, Wr1, b1, edge_index_0, edge_index_1, size_0, size_1):
    # Layer 0 (inference mode: dropout off)
    x_tgt0 = jax.lax.dynamic_slice_in_dim(x, size_0 - size_0, N1, axis=0)
    h = _sage_conv(x, x_tgt0, edge_index_0, Wl0, Wr0, b0)
    h = jax.nn.relu(h)
    # Layer 1 (final layer: no relu/dropout)
    h_tgt1 = jax.lax.dynamic_slice_in_dim(h, size_1 - size_1, N2, axis=0)
    out = _sage_conv(h, h_tgt1, edge_index_1, Wl1, Wr1, b1)
    return jax.nn.log_softmax(out, axis=-1)

if __name__ == "__main__":
    import jax
    _d = setup_inputs()
    print(jax.jit(kernel)(*tuple(_d.values())))

</pallas_src>

<mosaic_0001>
#map = affine_map<(d0, d1) -> (0, 0)>
#map1 = affine_map<(d0, d1) -> (0)>
#map2 = affine_map<(d0, d1) -> (0, 0, 0)>
module attributes {stable_mosaic.version = 14 : i64} {
  func.func @agg(%arg0: i32, %arg1: i32, %arg2: memref<5000x128xf32, #tpu.memory_space<hbm>>, %arg3: memref<640x512xi32, #tpu.memory_space<hbm>>, %arg4: memref<1152x128xf32, #tpu.memory_space<hbm>>, %arg5: memref<1152xf32, #tpu.memory_space<hbm>>, %arg6: memref<2x1152x128xf32, #tpu.memory_space<hbm>>, %arg7: memref<32x1152xf32, #tpu.memory_space<hbm>>, %arg8: memref<1152x128xf32, #tpu.memory_space<vmem_shared>>, %arg9: memref<5000x128xf32, #tpu.memory_space<vmem_shared>>, %arg10: memref<1152xf32, #tpu.memory_space<vmem>>, %arg11: memref<256xi32, #tpu.memory_space<vmem>>, %arg12: memref<256xi32, #tpu.memory_space<vmem>>, %arg13: memref<256xi32, #tpu.memory_space<vmem>>, %arg14: memref<256xi32, #tpu.memory_space<vmem>>, %arg15: memref<2x256x128xf32, #tpu.memory_space<vmem>>, %arg16: memref<!tpu.dma_semaphore, #tpu.memory_space<semaphore_mem>>, %arg17: memref<!tpu.dma_semaphore, #tpu.memory_space<semaphore_mem>>, %arg18: memref<!tpu.dma_semaphore, #tpu.memory_space<semaphore_mem>>, %arg19: memref<!tpu.dma_semaphore, #tpu.memory_space<semaphore_mem>>) attributes {dimension_semantics = [#tpu.dimension_semantics<core_parallel>, #tpu.dimension_semantics<subcore_parallel>], iteration_bounds = array<i64: 2, 16>, scalar_prefetch = 0 : i64, scratch_operands = 12 : i64, tpu.core_type = #tpu.core_type<sc_vector_subcore>, window_params = [{transform_indices = #map}, {transform_indices = #map}, {transform_indices = #map}, {transform_indices = #map1}, {transform_indices = #map2}, {transform_indices = #map}]} {
    %mul3A = arith.constant 16 : i32
    %mul3A_0 = arith.muli %arg0, %mul3A : i32
    %add3A = arith.addi %mul3A_0, %arg1 : i32
    %mul3A_1 = arith.constant 72 : i32
    %mul3A_2 = arith.muli %arg1, %mul3A_1 : i32
    %mul3A_3 = arith.constant 20 : i32
    %mul3A_4 = arith.muli %add3A, %mul3A_3 : i32
    "tpu.region"() ({
      %run_scoped3A = tpu.sem_alloc : memref<!tpu.dma_semaphore, #tpu.memory_space<semaphore_mem>>
      %dma_start3A_68 = arith.constant 0 : i32
      %dma_start3A_69 = tpu.memref_slice %arg8[%mul3A_2, %dma_start3A_68] : memref<1152x128xf32, #tpu.memory_space<vmem_shared>> -> memref<72x128xf32, #tpu.memory_space<vmem_shared>>
      %dma_start3A_70 = arith.constant 0 : i32
      %dma_start3A_71 = tpu.memref_slice %arg4[%mul3A_2, %dma_start3A_70] : memref<1152x128xf32, #tpu.memory_space<hbm>> -> memref<72x128xf32, #tpu.memory_space<hbm>>
      tpu.enqueue_dma source(%dma_start3A_71 : memref<72x128xf32, #tpu.memory_space<hbm>>) target(%dma_start3A_69 : memref<72x128xf32, #tpu.memory_space<vmem_shared>>) target_semaphore(%run_scoped3A : memref<!tpu.dma_semaphore, #tpu.memory_space<semaphore_mem>>)
      %dma_wait3A_72 = arith.constant 0 : i32
      %dma_wait3A_73 = tpu.memref_slice %arg8[%mul3A_2, %dma_wait3A_72] : memref<1152x128xf32, #tpu.memory_space<vmem_shared>> -> memref<72x128xf32, #tpu.memory_space<vmem_shared>>
      %dma_wait3A_74 = arith.constant 0 : i32
      %dma_wait3A_75 = tpu.memref_slice %arg4[%mul3A_2, %dma_wait3A_74] : memref<1152x128xf32, #tpu.memory_space<hbm>> -> memref<72x128xf32, #tpu.memory_space<hbm>>
      tpu.wait_dma2 semaphore(%run_scoped3A : memref<!tpu.dma_semaphore, #tpu.memory_space<semaphore_mem>>) src(%dma_wait3A_75 : memref<72x128xf32, #tpu.memory_space<hbm>>) dst(%dma_wait3A_73 : memref<72x128xf32, #tpu.memory_space<vmem_shared>>)
      tpu.yield
    }) : () -> ()
    "tpu.region"() ({
      %run_scoped3A = tpu.sem_alloc : memref<!tpu.dma_semaphore, #tpu.memory_space<semaphore_mem>>
      tpu.enqueue_dma source(%arg5 : memref<1152xf32, #tpu.memory_space<hbm>>) target(%arg10 : memref<1152xf32, #tpu.memory_space<vmem>>) target_semaphore(%run_scoped3A : memref<!tpu.dma_semaphore, #tpu.memory_space<semaphore_mem>>)
      tpu.wait_dma2 semaphore(%run_scoped3A : memref<!tpu.dma_semaphore, #tpu.memory_space<semaphore_mem>>) src(%arg5 : memref<1152xf32, #tpu.memory_space<hbm>>) dst(%arg10 : memref<1152xf32, #tpu.memory_space<vmem>>)
      tpu.yield
    }) : () -> ()
    %mul3A_5 = arith.constant 312 : i32
    %mul3A_6 = arith.muli %arg1, %mul3A_5 : i32
    %lt3A = arith.constant 15 : i32
    %lt3A_7 = arith.cmpi slt, %arg1, %lt3A : i32
    %convert_element_type3A = arith.extui %lt3A_7 : i1 to i32
    %cond3A = arith.constant 0 : i32
    %cond3A_8 = arith.cmpi ne, %convert_element_type3A, %cond3A : i32
    scf.if %cond3A_8 {
      "tpu.region"() ({
        %run_scoped3A = tpu.sem_alloc : memref<!tpu.dma_semaphore, #tpu.memory_space<semaphore_mem>>
        %dma_start3A_68 = arith.constant 0 : i32
        %dma_start3A_69 = tpu.memref_slice %arg9[%mul3A_6, %dma_start3A_68] : memref<5000x128xf32, #tpu.memory_space<vmem_shared>> -> memref<312x128xf32, #tpu.memory_space<vmem_shared>>
        %dma_start3A_70 = arith.constant 0 : i32
        %dma_start3A_71 = tpu.memref_slice %arg2[%mul3A_6, %dma_start3A_70] : memref<5000x128xf32, #tpu.memory_space<hbm>> -> memref<312x128xf32, #tpu.memory_space<hbm>>
        tpu.enqueue_dma source(%dma_start3A_71 : memref<312x128xf32, #tpu.memory_space<hbm>>) target(%dma_start3A_69 : memref<312x128xf32, #tpu.memory_space<vmem_shared>>) target_semaphore(%run_scoped3A : memref<!tpu.dma_semaphore, #tpu.memory_space<semaphore_mem>>)
        %dma_wait3A_72 = arith.constant 0 : i32
        %dma_wait3A_73 = tpu.memref_slice %arg9[%mul3A_6, %dma_wait3A_72] : memref<5000x128xf32, #tpu.memory_space<vmem_shared>> -> memref<312x128xf32, #tpu.memory_space<vmem_shared>>
        %dma_wait3A_74 = arith.constant 0 : i32
        %dma_wait3A_75 = tpu.memref_slice %arg2[%mul3A_6, %dma_wait3A_74] : memref<5000x128xf32, #tpu.memory_space<hbm>> -> memref<312x128xf32, #tpu.memory_space<hbm>>
        tpu.wait_dma2 semaphore(%run_scoped3A : memref<!tpu.dma_semaphore, #tpu.memory_space<semaphore_mem>>) src(%dma_wait3A_75 : memref<312x128xf32, #tpu.memory_space<hbm>>) dst(%dma_wait3A_73 : memref<312x128xf32, #tpu.memory_space<vmem_shared>>)
        tpu.yield
      }) : () -> ()
    } else {
    }
    %eq3A = arith.constant 15 : i32
    %eq3A_9 = arith.cmpi eq, %arg1, %eq3A : i32
    %convert_element_type3A_10 = arith.extui %eq3A_9 : i1 to i32
    %cond3A_11 = arith.constant 0 : i32
    %cond3A_12 = arith.cmpi ne, %convert_element_type3A_10, %cond3A_11 : i32
    scf.if %cond3A_12 {
      "tpu.region"() ({
        %run_scoped3A = tpu.sem_alloc : memref<!tpu.dma_semaphore, #tpu.memory_space<semaphore_mem>>
        %dma_start3A_68 = arith.constant 4680 : i32
        %dma_start3A_69 = arith.constant 0 : i32
        %dma_start3A_70 = tpu.memref_slice %arg9[%dma_start3A_68, %dma_start3A_69] : memref<5000x128xf32, #tpu.memory_space<vmem_shared>> -> memref<320x128xf32, #tpu.memory_space<vmem_shared>>
        %dma_start3A_71 = arith.constant 4680 : i32
        %dma_start3A_72 = arith.constant 0 : i32
        %dma_start3A_73 = tpu.memref_slice %arg2[%dma_start3A_71, %dma_start3A_72] : memref<5000x128xf32, #tpu.memory_space<hbm>> -> memref<320x128xf32, #tpu.memory_space<hbm>>
        tpu.enqueue_dma source(%dma_start3A_73 : memref<320x128xf32, #tpu.memory_space<hbm>>) target(%dma_start3A_70 : memref<320x128xf32, #tpu.memory_space<vmem_shared>>) target_semaphore(%run_scoped3A : memref<!tpu.dma_semaphore, #tpu.memory_space<semaphore_mem>>)
        %dma_wait3A_74 = arith.constant 4680 : i32
        %dma_wait3A_75 = arith.constant 0 : i32
        %dma_wait3A_76 = tpu.memref_slice %arg9[%dma_wait3A_74, %dma_wait3A_75] : memref<5000x128xf32, #tpu.memory_space<vmem_shared>> -> memref<320x128xf32, #tpu.memory_space<vmem_shared>>
        %dma_wait3A_77 = arith.constant 4680 : i32
        %dma_wait3A_78 = arith.constant 0 : i32
        %dma_wait3A_79 = tpu.memref_slice %arg2[%dma_wait3A_77, %dma_wait3A_78] : memref<5000x128xf32, #tpu.memory_space<hbm>> -> memref<320x128xf32, #tpu.memory_space<hbm>>
        tpu.wait_dma2 semaphore(%run_scoped3A : memref<!tpu.dma_semaphore, #tpu.memory_space<semaphore_mem>>) src(%dma_wait3A_79 : memref<320x128xf32, #tpu.memory_space<hbm>>) dst(%dma_wait3A_76 : memref<320x128xf32, #tpu.memory_space<vmem_shared>>)
        tpu.yield
      }) : () -> ()
    } else {
    }
    %barrier3A = arith.constant 0 : index
    tpu.barrier barrier_id(%barrier3A)
    %broadcast_in_dim3A = arith.constant 1.000000e+00 : f32
    %broadcast_in_dim3A_13 = vector.broadcast %broadcast_in_dim3A : f32 to vector<16xf32>
    %add3A_14 = arith.constant 0 : i32
    %add3A_15 = arith.addi %mul3A_4, %add3A_14 : i32
    %dma_start3A = arith.constant 0 : i32
    %dma_start3A_16 = tpu.memref_slice %arg3[%add3A_15, %dma_start3A] : memref<640x512xi32, #tpu.memory_space<hbm>> -> memref<1x256xi32, #tpu.memory_space<hbm>>
    %dma_start3A_17 = tpu.memref_squeeze %dma_start3A_16 : memref<1x256xi32, #tpu.memory_space<hbm>> -> memref<256xi32, #tpu.memory_space<hbm>>
    %dma_start3A_18 = arith.constant 0 : i32
    %dma_start3A_19 = tpu.memref_slice %arg3[%add3A_15, %dma_start3A_18] : memref<640x512xi32, #tpu.memory_space<hbm>> -> memref<1x256xi32, #tpu.memory_space<hbm>>
    %dma_start3A_20 = tpu.memref_squeeze %dma_start3A_19 : memref<1x256xi32, #tpu.memory_space<hbm>> -> memref<256xi32, #tpu.memory_space<hbm>>
    tpu.enqueue_dma source(%dma_start3A_20 : memref<256xi32, #tpu.memory_space<hbm>>) target(%arg11 : memref<256xi32, #tpu.memory_space<vmem>>) target_semaphore(%arg18 : memref<!tpu.dma_semaphore, #tpu.memory_space<semaphore_mem>>)
    %dma_start3A_21 = arith.constant 256 : i32
    %dma_start3A_22 = tpu.memref_slice %arg3[%add3A_15, %dma_start3A_21] : memref<640x512xi32, #tpu.memory_space<hbm>> -> memref<1x256xi32, #tpu.memory_space<hbm>>
    %dma_start3A_23 = tpu.memref_squeeze %dma_start3A_22 : memref<1x256xi32, #tpu.memory_space<hbm>> -> memref<256xi32, #tpu.memory_space<hbm>>
    %dma_start3A_24 = arith.constant 256 : i32
    %dma_start3A_25 = tpu.memref_slice %arg3[%add3A_15, %dma_start3A_24] : memref<640x512xi32, #tpu.memory_space<hbm>> -> memref<1x256xi32, #tpu.memory_space<hbm>>
    %dma_start3A_26 = tpu.memref_squeeze %dma_start3A_25 : memref<1x256xi32, #tpu.memory_space<hbm>> -> memref<256xi32, #tpu.memory_space<hbm>>
    tpu.enqueue_dma source(%dma_start3A_26 : memref<256xi32, #tpu.memory_space<hbm>>) target(%arg13 : memref<256xi32, #tpu.memory_space<vmem>>) target_semaphore(%arg18 : memref<!tpu.dma_semaphore, #tpu.memory_space<semaphore_mem>>)
    %dma_wait3A = arith.constant 0 : i32
    %dma_wait3A_27 = arith.constant 0 : i32
    %dma_wait3A_28 = tpu.memref_slice %arg3[%dma_wait3A, %dma_wait3A_27] : memref<640x512xi32, #tpu.memory_space<hbm>> -> memref<1x256xi32, #tpu.memory_space<hbm>>
    %dma_wait3A_29 = tpu.memref_squeeze %dma_wait3A_28 : memref<1x256xi32, #tpu.memory_space<hbm>> -> memref<256xi32, #tpu.memory_space<hbm>>
    %dma_wait3A_30 = arith.constant 0 : i32
    %dma_wait3A_31 = tpu.memref_slice %arg3[%dma_wait3A, %dma_wait3A_30] : memref<640x512xi32, #tpu.memory_space<hbm>> -> memref<1x256xi32, #tpu.memory_space<hbm>>
    %dma_wait3A_32 = tpu.memref_squeeze %dma_wait3A_31 : memref<1x256xi32, #tpu.memory_space<hbm>> -> memref<256xi32, #tpu.memory_space<hbm>>
    tpu.wait_dma2 semaphore(%arg18 : memref<!tpu.dma_semaphore, #tpu.memory_space<semaphore_mem>>) src(%dma_wait3A_32 : memref<256xi32, #tpu.memory_space<hbm>>) dst(%arg11 : memref<256xi32, #tpu.memory_space<vmem>>)
    %dma_wait3A_33 = arith.constant 0 : i32
    %dma_wait3A_34 = arith.constant 256 : i32
    %dma_wait3A_35 = tpu.memref_slice %arg3[%dma_wait3A_33, %dma_wait3A_34] : memref<640x512xi32, #tpu.memory_space<hbm>> -> memref<1x256xi32, #tpu.memory_space<hbm>>
    %dma_wait3A_36 = tpu.memref_squeeze %dma_wait3A_35 : memref<1x256xi32, #tpu.memory_space<hbm>> -> memref<256xi32, #tpu.memory_space<hbm>>
    %dma_wait3A_37 = arith.constant 256 : i32
    %dma_wait3A_38 = tpu.memref_slice %arg3[%dma_wait3A_33, %dma_wait3A_37] : memref<640x512xi32, #tpu.memory_space<hbm>> -> memref<1x256xi32, #tpu.memory_space<hbm>>
    %dma_wait3A_39 = tpu.memref_squeeze %dma_wait3A_38 : memref<1x256xi32, #tpu.memory_space<hbm>> -> memref<256xi32, #tpu.memory_space<hbm>>
    tpu.wait_dma2 semaphore(%arg18 : memref<!tpu.dma_semaphore, #tpu.memory_space<semaphore_mem>>) src(%dma_wait3A_39 : memref<256xi32, #tpu.memory_space<hbm>>) dst(%arg13 : memref<256xi32, #tpu.memory_space<vmem>>)
    %dma_start3A_40 = arith.constant 0 : i32
    %dma_start3A_41 = arith.constant 0 : i32
    %dma_start3A_42 = arith.constant 0 : i32
    %dma_start3A_43 = tpu.memref_slice %arg15[%dma_start3A_40, %dma_start3A_41, %dma_start3A_42] : memref<2x256x128xf32, #tpu.memory_space<vmem>> -> memref<1x256x128xf32, #tpu.memory_space<vmem>>
    %dma_start3A_44 = tpu.memref_squeeze %dma_start3A_43 : memref<1x256x128xf32, #tpu.memory_space<vmem>> -> memref<256x128xf32, #tpu.memory_space<vmem>>
    %dma_start3A_45 = arith.constant 0 : i32
    %dma_start3A_46 = arith.constant 0 : i32
    %dma_start3A_47 = tpu.memref_slice %arg9[%dma_start3A_45, %dma_start3A_46] : memref<5000x128xf32, #tpu.memory_space<vmem_shared>> -> memref<5000x128xf32, #tpu.memory_space<vmem_shared>>
    tpu.enqueue_indirect_dma source(%dma_start3A_47 : memref<5000x128xf32, #tpu.memory_space<vmem_shared>>) target(%dma_start3A_44 : memref<256x128xf32, #tpu.memory_space<vmem>>) offsets(%arg11 : memref<256xi32, #tpu.memory_space<vmem>>) semaphore(%arg16 : memref<!tpu.dma_semaphore, #tpu.memory_space<semaphore_mem>>)
    %add3A_48 = arith.constant 1 : i32
    %add3A_49 = arith.addi %mul3A_4, %add3A_48 : i32
    %dma_start3A_50 = arith.constant 0 : i32
    %dma_start3A_51 = tpu.memref_slice %arg3[%add3A_49, %dma_start3A_50] : memref<640x512xi32, #tpu.memory_space<hbm>> -> memref<1x256xi32, #tpu.memory_space<hbm>>
    %dma_start3A_52 = tpu.memref_squeeze %dma_start3A_51 : memref<1x256xi32, #tpu.memory_space<hbm>> -> memref<256xi32, #tpu.memory_space<hbm>>
    %dma_start3A_53 = arith.constant 0 : i32
    %dma_start3A_54 = tpu.memref_slice %arg3[%add3A_49, %dma_start3A_53] : memref<640x512xi32, #tpu.memory_space<hbm>> -> memref<1x256xi32, #tpu.memory_space<hbm>>
    %dma_start3A_55 = tpu.memref_squeeze %dma_start3A_54 : memref<1x256xi32, #tpu.memory_space<hbm>> -> memref<256xi32, #tpu.memory_space<hbm>>
    tpu.enqueue_dma source(%dma_start3A_55 : memref<256xi32, #tpu.memory_space<hbm>>) target(%arg12 : memref<256xi32, #tpu.memory_space<vmem>>) target_semaphore(%arg19 : memref<!tpu.dma_semaphore, #tpu.memory_space<semaphore_mem>>)
    %dma_start3A_56 = arith.constant 256 : i32
    %dma_start3A_57 = tpu.memref_slice %arg3[%add3A_49, %dma_start3A_56] : memref<640x512xi32, #tpu.memory_space<hbm>> -> memref<1x256xi32, #tpu.memory_space<hbm>>
    %dma_start3A_58 = tpu.memref_squeeze %dma_start3A_57 : memref<1x256xi32, #tpu.memory_space<hbm>> -> memref<256xi32, #tpu.memory_space<hbm>>
    %dma_start3A_59 = arith.constant 256 : i32
    %dma_start3A_60 = tpu.memref_slice %arg3[%add3A_49, %dma_start3A_59] : memref<640x512xi32, #tpu.memory_space<hbm>> -> memref<1x256xi32, #tpu.memory_space<hbm>>
    %dma_start3A_61 = tpu.memref_squeeze %dma_start3A_60 : memref<1x256xi32, #tpu.memory_space<hbm>> -> memref<256xi32, #tpu.memory_space<hbm>>
    tpu.enqueue_dma source(%dma_start3A_61 : memref<256xi32, #tpu.memory_space<hbm>>) target(%arg14 : memref<256xi32, #tpu.memory_space<vmem>>) target_semaphore(%arg19 : memref<!tpu.dma_semaphore, #tpu.memory_space<semaphore_mem>>)
    %scan3A = arith.constant 0 : i32
    %scan3A_62 = arith.constant 0 : i32
    %scan3A_63 = arith.constant 10 : i32
    %scan3A_64 = arith.addi %scan3A_62, %scan3A_63 : i32
    %scan3A_65 = arith.constant 1 : i32
    scf.for %scan3A_68 = %scan3A_62 to %scan3A_64 step %scan3A_65  : i32 {
      %mul3A_69 = arith.constant 2 : i32
      %mul3A_70 = arith.muli %mul3A_69, %scan3A_68 : i32
      %dma_wait3A_71 = arith.constant 0 : i32
      %dma_wait3A_72 = arith.constant 0 : i32
      %dma_wait3A_73 = arith.constant 0 : i32
      %dma_wait3A_74 = tpu.memref_slice %arg15[%dma_wait3A_71, %dma_wait3A_72, %dma_wait3A_73] : memref<2x256x128xf32, #tpu.memory_space<vmem>> -> memref<1x256x128xf32, #tpu.memory_space<vmem>>
      %dma_wait3A_75 = tpu.memref_squeeze %dma_wait3A_74 : memref<1x256x128xf32, #tpu.memory_space<vmem>> -> memref<256x128xf32, #tpu.memory_space<vmem>>
      %dma_wait3A_76 = arith.constant 0 : i32
      %dma_wait3A_77 = arith.constant 0 : i32
      %dma_wait3A_78 = tpu.memref_slice %arg9[%dma_wait3A_76, %dma_wait3A_77] : memref<5000x128xf32, #tpu.memory_space<vmem_shared>> -> memref<5000x128xf32, #tpu.memory_space<vmem_shared>>
      tpu.wait_indirect_dma semaphore(%arg16 : memref<!tpu.dma_semaphore, #tpu.memory_space<semaphore_mem>>) src(%dma_wait3A_78 : memref<5000x128xf32, #tpu.memory_space<vmem_shared>>) dst(%dma_wait3A_75 : memref<256x128xf32, #tpu.memory_space<vmem>>)
      %dma_wait3A_79 = arith.constant 0 : i32
      %dma_wait3A_80 = arith.constant 0 : i32
      %dma_wait3A_81 = tpu.memref_slice %arg3[%dma_wait3A_79, %dma_wait3A_80] : memref<640x512xi32, #tpu.memory_space<hbm>> -> memref<1x256xi32, #tpu.memory_space<hbm>>
      %dma_wait3A_82 = tpu.memref_squeeze %dma_wait3A_81 : memref<1x256xi32, #tpu.memory_space<hbm>> -> memref<256xi32, #tpu.memory_space<hbm>>
      %dma_wait3A_83 = arith.constant 0 : i32
      %dma_wait3A_84 = tpu.memref_slice %arg3[%dma_wait3A_79, %dma_wait3A_83] : memref<640x512xi32, #tpu.memory_space<hbm>> -> memref<1x256xi32, #tpu.memory_space<hbm>>
      %dma_wait3A_85 = tpu.memref_squeeze %dma_wait3A_84 : memref<1x256xi32, #tpu.memory_space<hbm>> -> memref<256xi32, #tpu.memory_space<hbm>>
      tpu.wait_dma2 semaphore(%arg19 : memref<!tpu.dma_semaphore, #tpu.memory_space<semaphore_mem>>) src(%dma_wait3A_85 : memref<256xi32, #tpu.memory_space<hbm>>) dst(%arg12 : memref<256xi32, #tpu.memory_space<vmem>>)
      %dma_wait3A_86 = arith.constant 0 : i32
      %dma_wait3A_87 = arith.constant 256 : i32
      %dma_wait3A_88 = tpu.memref_slice %arg3[%dma_wait3A_86, %dma_wait3A_87] : memref<640x512xi32, #tpu.memory_space<hbm>> -> memref<1x256xi32, #tpu.memory_space<hbm>>
      %dma_wait3A_89 = tpu.memref_squeeze %dma_wait3A_88 : memref<1x256xi32, #tpu.memory_space<hbm>> -> memref<256xi32, #tpu.memory_space<hbm>>
      %dma_wait3A_90 = arith.constant 256 : i32
      %dma_wait3A_91 = tpu.memref_slice %arg3[%dma_wait3A_86, %dma_wait3A_90] : memref<640x512xi32, #tpu.memory_space<hbm>> -> memref<1x256xi32, #tpu.memory_space<hbm>>
      %dma_wait3A_92 = tpu.memref_squeeze %dma_wait3A_91 : memref<1x256xi32, #tpu.memory_space<hbm>> -> memref<256xi32, #tpu.memory_space<hbm>>
      tpu.wait_dma2 semaphore(%arg19 : memref<!tpu.dma_semaphore, #tpu.memory_space<semaphore_mem>>) src(%dma_wait3A_92 : memref<256xi32, #tpu.memory_space<hbm>>) dst(%arg14 : memref<256xi32, #tpu.memory_space<vmem>>)
      %dma_start3A_93 = arith.constant 1 : i32
      %dma_start3A_94 = arith.constant 0 : i32
      %dma_start3A_95 = arith.constant 0 : i32
      %dma_start3A_96 = tpu.memref_slice %arg15[%dma_start3A_93, %dma_start3A_94, %dma_start3A_95] : memref<2x256x128xf32, #tpu.memory_space<vmem>> -> memref<1x256x128xf32, #tpu.memory_space<vmem>>
      %dma_start3A_97 = tpu.memref_squeeze %dma_start3A_96 : memref<1x256x128xf32, #tpu.memory_space<vmem>> -> memref<256x128xf32, #tpu.memory_space<vmem>>
      %dma_start3A_98 = arith.constant 0 : i32
      %dma_start3A_99 = arith.constant 0 : i32
      %dma_start3A_100 = tpu.memref_slice %arg9[%dma_start3A_98, %dma_start3A_99] : memref<5000x128xf32, #tpu.memory_space<vmem_shared>> -> memref<5000x128xf32, #tpu.memory_space<vmem_shared>>
      tpu.enqueue_indirect_dma source(%dma_start3A_100 : memref<5000x128xf32, #tpu.memory_space<vmem_shared>>) target(%dma_start3A_97 : memref<256x128xf32, #tpu.memory_space<vmem>>) offsets(%arg12 : memref<256xi32, #tpu.memory_space<vmem>>) semaphore(%arg17 : memref<!tpu.dma_semaphore, #tpu.memory_space<semaphore_mem>>)
      %run_scoped3A = arith.constant 0 : i32
      "tpu.region"() ({
        %run_scoped3A_187 = tpu.sem_alloc : memref<!tpu.dma_semaphore, #tpu.memory_space<semaphore_mem>>
        %dma_start3A_188 = arith.constant 0 : i32
        %dma_start3A_189 = arith.constant 0 : i32
        %dma_start3A_190 = tpu.memref_slice %arg15[%run_scoped3A, %dma_start3A_188, %dma_start3A_189] : memref<2x256x128xf32, #tpu.memory_space<vmem>> -> memref<1x256x128xf32, #tpu.memory_space<vmem>>
        %dma_start3A_191 = tpu.memref_squeeze %dma_start3A_190 : memref<1x256x128xf32, #tpu.memory_space<vmem>> -> memref<256x128xf32, #tpu.memory_space<vmem>>
        %dma_start3A_192 = arith.constant 0 : i32
        %dma_start3A_193 = arith.constant 0 : i32
        %dma_start3A_194 = tpu.memref_slice %arg8[%dma_start3A_192, %dma_start3A_193] : memref<1152x128xf32, #tpu.memory_space<vmem_shared>> -> memref<1152x128xf32, #tpu.memory_space<vmem_shared>>
        tpu.enqueue_indirect_dma source(%dma_start3A_191 : memref<256x128xf32, #tpu.memory_space<vmem>>) target(%dma_start3A_194 : memref<1152x128xf32, #tpu.memory_space<vmem_shared>>) offsets(%arg13 : memref<256xi32, #tpu.memory_space<vmem>>) semaphore(%run_scoped3A_187 : memref<!tpu.dma_semaphore, #tpu.memory_space<semaphore_mem>>) {add = true}
        %dma_wait3A_195 = arith.constant 0 : i32
        %dma_wait3A_196 = arith.constant 0 : i32
        %dma_wait3A_197 = tpu.memref_slice %arg15[%run_scoped3A, %dma_wait3A_195, %dma_wait3A_196] : memref<2x256x128xf32, #tpu.memory_space<vmem>> -> memref<1x256x128xf32, #tpu.memory_space<vmem>>
        %dma_wait3A_198 = tpu.memref_squeeze %dma_wait3A_197 : memref<1x256x128xf32, #tpu.memory_space<vmem>> -> memref<256x128xf32, #tpu.memory_space<vmem>>
        %dma_wait3A_199 = arith.constant 0 : i32
        %dma_wait3A_200 = arith.constant 0 : i32
        %dma_wait3A_201 = tpu.memref_slice %arg8[%dma_wait3A_199, %dma_wait3A_200] : memref<1152x128xf32, #tpu.memory_space<vmem_shared>> -> memref<1152x128xf32, #tpu.memory_space<vmem_shared>>
        tpu.wait_indirect_dma semaphore(%run_scoped3A_187 : memref<!tpu.dma_semaphore, #tpu.memory_space<semaphore_mem>>) src(%dma_wait3A_198 : memref<256x128xf32, #tpu.memory_space<vmem>>) dst(%dma_wait3A_201 : memref<1152x128xf32, #tpu.memory_space<vmem_shared>>)
        tpu.yield
      }) : () -> ()
      %get3A = arith.constant 0 : index
      %get3A_101 = tpu.vector_load %arg13[%get3A] {strides = array<i32>} : memref<256xi32, #tpu.memory_space<vmem>>, vector<16xi32>,
      tpu.vector_store_idx %arg10[%get3A_101], %broadcast_in_dim3A_13 {add = true} : memref<1152xf32, #tpu.memory_space<vmem>>[vector<16xi32>], vector<16xf32>,
      %get3A_102 = arith.constant 16 : index
      %get3A_103 = tpu.vector_load %arg13[%get3A_102] {strides = array<i32>} : memref<256xi32, #tpu.memory_space<vmem>>, vector<16xi32>,
      tpu.vector_store_idx %arg10[%get3A_103], %broadcast_in_dim3A_13 {add = true} : memref<1152xf32, #tpu.memory_space<vmem>>[vector<16xi32>], vector<16xf32>,
      %get3A_104 = arith.constant 32 : index
      %get3A_105 = tpu.vector_load %arg13[%get3A_104] {strides = array<i32>} : memref<256xi32, #tpu.memory_space<vmem>>, vector<16xi32>,
      tpu.vector_store_idx %arg10[%get3A_105], %broadcast_in_dim3A_13 {add = true} : memref<1152xf32, #tpu.memory_space<vmem>>[vector<16xi32>], vector<16xf32>,
      %get3A_106 = arith.constant 48 : index
      %get3A_107 = tpu.vector_load %arg13[%get3A_106] {strides = array<i32>} : memref<256xi32, #tpu.memory_space<vmem>>, vector<16xi32>,
      tpu.vector_store_idx %arg10[%get3A_107], %broadcast_in_dim3A_13 {add = true} : memref<1152xf32, #tpu.memory_space<vmem>>[vector<16xi32>], vector<16xf32>,
      %get3A_108 = arith.constant 64 : index
      %get3A_109 = tpu.vector_load %arg13[%get3A_108] {strides = array<i32>} : memref<256xi32, #tpu.memory_space<vmem>>, vector<16xi32>,
      tpu.vector_store_idx %arg10[%get3A_109], %broadcast_in_dim3A_13 {add = true} : memref<1152xf32, #tpu.memory_space<vmem>>[vector<16xi32>], vector<16xf32>,
      %get3A_110 = arith.constant 80 : index
      %get3A_111 = tpu.vector_load %arg13[%get3A_110] {strides = array<i32>} : memref<256xi32, #tpu.memory_space<vmem>>, vector<16xi32>,
      tpu.vector_store_idx %arg10[%get3A_111], %broadcast_in_dim3A_13 {add = true} : memref<1152xf32, #tpu.memory_space<vmem>>[vector<16xi32>], vector<16xf32>,
      %get3A_112 = arith.constant 96 : index
      %get3A_113 = tpu.vector_load %arg13[%get3A_112] {strides = array<i32>} : memref<256xi32, #tpu.memory_space<vmem>>, vector<16xi32>,
      tpu.vector_store_idx %arg10[%get3A_113], %broadcast_in_dim3A_13 {add = true} : memref<1152xf32, #tpu.memory_space<vmem>>[vector<16xi32>], vector<16xf32>,
      %get3A_114 = arith.constant 112 : index
      %get3A_115 = tpu.vector_load %arg13[%get3A_114] {strides = array<i32>} : memref<256xi32, #tpu.memory_space<vmem>>, vector<16xi32>,
      tpu.vector_store_idx %arg10[%get3A_115], %broadcast_in_dim3A_13 {add = true} : memref<1152xf32, #tpu.memory_space<vmem>>[vector<16xi32>], vector<16xf32>,
      %get3A_116 = arith.constant 128 : index
      %get3A_117 = tpu.vector_load %arg13[%get3A_116] {strides = array<i32>} : memref<256xi32, #tpu.memory_space<vmem>>, vector<16xi32>,
      tpu.vector_store_idx %arg10[%get3A_117], %broadcast_in_dim3A_13 {add = true} : memref<1152xf32, #tpu.memory_space<vmem>>[vector<16xi32>], vector<16xf32>,
      %get3A_118 = arith.constant 144 : index
      %get3A_119 = tpu.vector_load %arg13[%get3A_118] {strides = array<i32>} : memref<256xi32, #tpu.memory_space<vmem>>, vector<16xi32>,
      tpu.vector_store_idx %arg10[%get3A_119], %broadcast_in_dim3A_13 {add = true} : memref<1152xf32, #tpu.memory_space<vmem>>[vector<16xi32>], vector<16xf32>,
      %get3A_120 = arith.constant 160 : index
      %get3A_121 = tpu.vector_load %arg13[%get3A_120] {strides = array<i32>} : memref<256xi32, #tpu.memory_space<vmem>>, vector<16xi32>,
      tpu.vector_store_idx %arg10[%get3A_121], %broadcast_in_dim3A_13 {add = true} : memref<1152xf32, #tpu.memory_space<vmem>>[vector<16xi32>], vector<16xf32>,
      %get3A_122 = arith.constant 176 : index
      %get3A_123 = tpu.vector_load %arg13[%get3A_122] {strides = array<i32>} : memref<256xi32, #tpu.memory_space<vmem>>, vector<16xi32>,
      tpu.vector_store_idx %arg10[%get3A_123], %broadcast_in_dim3A_13 {add = true} : memref<1152xf32, #tpu.memory_space<vmem>>[vector<16xi32>], vector<16xf32>,
      %get3A_124 = arith.constant 192 : index
      %get3A_125 = tpu.vector_load %arg13[%get3A_124] {strides = array<i32>} : memref<256xi32, #tpu.memory_space<vmem>>, vector<16xi32>,
      tpu.vector_store_idx %arg10[%get3A_125], %broadcast_in_dim3A_13 {add = true} : memref<1152xf32, #tpu.memory_space<vmem>>[vector<16xi32>], vector<16xf32>,
      %get3A_126 = arith.constant 208 : index
      %get3A_127 = tpu.vector_load %arg13[%get3A_126] {strides = array<i32>} : memref<256xi32, #tpu.memory_space<vmem>>, vector<16xi32>,
      tpu.vector_store_idx %arg10[%get3A_127], %broadcast_in_dim3A_13 {add = true} : memref<1152xf32, #tpu.memory_space<vmem>>[vector<16xi32>], vector<16xf32>,
      %get3A_128 = arith.constant 224 : index
      %get3A_129 = tpu.vector_load %arg13[%get3A_128] {strides = array<i32>} : memref<256xi32, #tpu.memory_space<vmem>>, vector<16xi32>,
      tpu.vector_store_idx %arg10[%get3A_129], %broadcast_in_dim3A_13 {add = true} : memref<1152xf32, #tpu.memory_space<vmem>>[vector<16xi32>], vector<16xf32>,
      %get3A_130 = arith.constant 240 : index
      %get3A_131 = tpu.vector_load %arg13[%get3A_130] {strides = array<i32>} : memref<256xi32, #tpu.memory_space<vmem>>, vector<16xi32>,
      tpu.vector_store_idx %arg10[%get3A_131], %broadcast_in_dim3A_13 {add = true} : memref<1152xf32, #tpu.memory_space<vmem>>[vector<16xi32>], vector<16xf32>,
      %add3A_132 = arith.constant 1 : i32
      %add3A_133 = arith.addi %scan3A_68, %add3A_132 : i32
      %lt3A_134 = arith.constant 10 : i32
      %lt3A_135 = arith.cmpi slt, %add3A_133, %lt3A_134 : i32
      %convert_element_type3A_136 = arith.extui %lt3A_135 : i1 to i32
      %cond3A_137 = arith.constant 0 : i32
      %cond3A_138 = arith.cmpi ne, %convert_element_type3A_136, %cond3A_137 : i32
      scf.if %cond3A_138 {
        %add3A_187 = arith.constant 2 : i32
        %add3A_188 = arith.addi %mul3A_70, %add3A_187 : i32
        %add3A_189 = arith.addi %mul3A_4, %add3A_188 : i32
        %dma_start3A_190 = arith.constant 0 : i32
        %dma_start3A_191 = tpu.memref_slice %arg3[%add3A_189, %dma_start3A_190] : memref<640x512xi32, #tpu.memory_space<hbm>> -> memref<1x256xi32, #tpu.memory_space<hbm>>
        %dma_start3A_192 = tpu.memref_squeeze %dma_start3A_191 : memref<1x256xi32, #tpu.memory_space<hbm>> -> memref<256xi32, #tpu.memory_space<hbm>>
        %dma_start3A_193 = arith.constant 0 : i32
        %dma_start3A_194 = tpu.memref_slice %arg3[%add3A_189, %dma_start3A_193] : memref<640x512xi32, #tpu.memory_space<hbm>> -> memref<1x256xi32, #tpu.memory_space<hbm>>
        %dma_start3A_195 = tpu.memref_squeeze %dma_start3A_194 : memref<1x256xi32, #tpu.memory_space<hbm>> -> memref<256xi32, #tpu.memory_space<hbm>>
        tpu.enqueue_dma source(%dma_start3A_195 : memref<256xi32, #tpu.memory_space<hbm>>) target(%arg11 : memref<256xi32, #tpu.memory_space<vmem>>) target_semaphore(%arg18 : memref<!tpu.dma_semaphore, #tpu.memory_space<semaphore_mem>>)
        %dma_start3A_196 = arith.constant 256 : i32
        %dma_start3A_197 = tpu.memref_slice %arg3[%add3A_189, %dma_start3A_196] : memref<640x512xi32, #tpu.memory_space<hbm>> -> memref<1x256xi32, #tpu.memory_space<hbm>>
        %dma_start3A_198 = tpu.memref_squeeze %dma_start3A_197 : memref<1x256xi32, #tpu.memory_space<hbm>> -> memref<256xi32, #tpu.memory_space<hbm>>
        %dma_start3A_199 = arith.constant 256 : i32
        %dma_start3A_200 = tpu.memref_slice %arg3[%add3A_189, %dma_start3A_199] : memref<640x512xi32, #tpu.memory_space<hbm>> -> memref<1x256xi32, #tpu.memory_space<hbm>>
        %dma_start3A_201 = tpu.memref_squeeze %dma_start3A_200 : memref<1x256xi32, #tpu.memory_space<hbm>> -> memref<256xi32, #tpu.memory_space<hbm>>
        tpu.enqueue_dma source(%dma_start3A_201 : memref<256xi32, #tpu.memory_space<hbm>>) target(%arg13 : memref<256xi32, #tpu.memory_space<vmem>>) target_semaphore(%arg18 : memref<!tpu.dma_semaphore, #tpu.memory_space<semaphore_mem>>)
      } else {
      }
      %dma_wait3A_139 = arith.constant 1 : i32
      %dma_wait3A_140 = arith.constant 0 : i32
      %dma_wait3A_141 = arith.constant 0 : i32
      %dma_wait3A_142 = tpu.memref_slice %arg15[%dma_wait3A_139, %dma_wait3A_140, %dma_wait3A_141] : memref<2x256x128xf32, #tpu.memory_space<vmem>> -> memref<1x256x128xf32, #tpu.memory_space<vmem>>
      %dma_wait3A_143 = tpu.memref_squeeze %dma_wait3A_142 : memref<1x256x128xf32, #tpu.memory_space<vmem>> -> memref<256x128xf32, #tpu.memory_space<vmem>>
      %dma_wait3A_144 = arith.constant 0 : i32
      %dma_wait3A_145 = arith.constant 0 : i32
      %dma_wait3A_146 = tpu.memref_slice %arg9[%dma_wait3A_144, %dma_wait3A_145] : memref<5000x128xf32, #tpu.memory_space<vmem_shared>> -> memref<5000x128xf32, #tpu.memory_space<vmem_shared>>
      tpu.wait_indirect_dma semaphore(%arg17 : memref<!tpu.dma_semaphore, #tpu.memory_space<semaphore_mem>>) src(%dma_wait3A_146 : memref<5000x128xf32, #tpu.memory_space<vmem_shared>>) dst(%dma_wait3A_143 : memref<256x128xf32, #tpu.memory_space<vmem>>)
      %run_scoped3A_147 = arith.constant 1 : i32
      "tpu.region"() ({
        %run_scoped3A_187 = tpu.sem_alloc : memref<!tpu.dma_semaphore, #tpu.memory_space<semaphore_mem>>
        %dma_start3A_188 = arith.constant 0 : i32
        %dma_start3A_189 = arith.constant 0 : i32
        %dma_start3A_190 = tpu.memref_slice %arg15[%run_scoped3A_147, %dma_start3A_188, %dma_start3A_189] : memref<2x256x128xf32, #tpu.memory_space<vmem>> -> memref<1x256x128xf32, #tpu.memory_space<vmem>>
        %dma_start3A_191 = tpu.memref_squeeze %dma_start3A_190 : memref<1x256x128xf32, #tpu.memory_space<vmem>> -> memref<256x128xf32, #tpu.memory_space<vmem>>
        %dma_start3A_192 = arith.constant 0 : i32
        %dma_start3A_193 = arith.constant 0 : i32
        %dma_start3A_194 = tpu.memref_slice %arg8[%dma_start3A_192, %dma_start3A_193] : memref<1152x128xf32, #tpu.memory_space<vmem_shared>> -> memref<1152x128xf32, #tpu.memory_space<vmem_shared>>
        tpu.enqueue_indirect_dma source(%dma_start3A_191 : memref<256x128xf32, #tpu.memory_space<vmem>>) target(%dma_start3A_194 : memref<1152x128xf32, #tpu.memory_space<vmem_shared>>) offsets(%arg14 : memref<256xi32, #tpu.memory_space<vmem>>) semaphore(%run_scoped3A_187 : memref<!tpu.dma_semaphore, #tpu.memory_space<semaphore_mem>>) {add = true}
        %dma_wait3A_195 = arith.constant 0 : i32
        %dma_wait3A_196 = arith.constant 0 : i32
        %dma_wait3A_197 = tpu.memref_slice %arg15[%run_scoped3A_147, %dma_wait3A_195, %dma_wait3A_196] : memref<2x256x128xf32, #tpu.memory_space<vmem>> -> memref<1x256x128xf32, #tpu.memory_space<vmem>>
        %dma_wait3A_198 = tpu.memref_squeeze %dma_wait3A_197 : memref<1x256x128xf32, #tpu.memory_space<vmem>> -> memref<256x128xf32, #tpu.memory_space<vmem>>
        %dma_wait3A_199 = arith.constant 0 : i32
        %dma_wait3A_200 = arith.constant 0 : i32
        %dma_wait3A_201 = tpu.memref_slice %arg8[%dma_wait3A_199, %dma_wait3A_200] : memref<1152x128xf32, #tpu.memory_space<vmem_shared>> -> memref<1152x128xf32, #tpu.memory_space<vmem_shared>>
        tpu.wait_indirect_dma semaphore(%run_scoped3A_187 : memref<!tpu.dma_semaphore, #tpu.memory_space<semaphore_mem>>) src(%dma_wait3A_198 : memref<256x128xf32, #tpu.memory_space<vmem>>) dst(%dma_wait3A_201 : memref<1152x128xf32, #tpu.memory_space<vmem_shared>>)
        tpu.yield
      }) : () -> ()
      %get3A_148 = arith.constant 0 : index
      %get3A_149 = tpu.vector_load %arg14[%get3A_148] {strides = array<i32>} : memref<256xi32, #tpu.memory_space<vmem>>, vector<16xi32>,
      tpu.vector_store_idx %arg10[%get3A_149], %broadcast_in_dim3A_13 {add = true} : memref<1152xf32, #tpu.memory_space<vmem>>[vector<16xi32>], vector<16xf32>,
      %get3A_150 = arith.constant 16 : index
      %get3A_151 = tpu.vector_load %arg14[%get3A_150] {strides = array<i32>} : memref<256xi32, #tpu.memory_space<vmem>>, vector<16xi32>,
      tpu.vector_store_idx %arg10[%get3A_151], %broadcast_in_dim3A_13 {add = true} : memref<1152xf32, #tpu.memory_space<vmem>>[vector<16xi32>], vector<16xf32>,
      %get3A_152 = arith.constant 32 : index
      %get3A_153 = tpu.vector_load %arg14[%get3A_152] {strides = array<i32>} : memref<256xi32, #tpu.memory_space<vmem>>, vector<16xi32>,
      tpu.vector_store_idx %arg10[%get3A_153], %broadcast_in_dim3A_13 {add = true} : memref<1152xf32, #tpu.memory_space<vmem>>[vector<16xi32>], vector<16xf32>,
      %get3A_154 = arith.constant 48 : index
      %get3A_155 = tpu.vector_load %arg14[%get3A_154] {strides = array<i32>} : memref<256xi32, #tpu.memory_space<vmem>>, vector<16xi32>,
      tpu.vector_store_idx %arg10[%get3A_155], %broadcast_in_dim3A_13 {add = true} : memref<1152xf32, #tpu.memory_space<vmem>>[vector<16xi32>], vector<16xf32>,
      %get3A_156 = arith.constant 64 : index
      %get3A_157 = tpu.vector_load %arg14[%get3A_156] {strides = array<i32>} : memref<256xi32, #tpu.memory_space<vmem>>, vector<16xi32>,
      tpu.vector_store_idx %arg10[%get3A_157], %broadcast_in_dim3A_13 {add = true} : memref<1152xf32, #tpu.memory_space<vmem>>[vector<16xi32>], vector<16xf32>,
      %get3A_158 = arith.constant 80 : index
      %get3A_159 = tpu.vector_load %arg14[%get3A_158] {strides = array<i32>} : memref<256xi32, #tpu.memory_space<vmem>>, vector<16xi32>,
      tpu.vector_store_idx %arg10[%get3A_159], %broadcast_in_dim3A_13 {add = true} : memref<1152xf32, #tpu.memory_space<vmem>>[vector<16xi32>], vector<16xf32>,
      %get3A_160 = arith.constant 96 : index
      %get3A_161 = tpu.vector_load %arg14[%get3A_160] {strides = array<i32>} : memref<256xi32, #tpu.memory_space<vmem>>, vector<16xi32>,
      tpu.vector_store_idx %arg10[%get3A_161], %broadcast_in_dim3A_13 {add = true} : memref<1152xf32, #tpu.memory_space<vmem>>[vector<16xi32>], vector<16xf32>,
      %get3A_162 = arith.constant 112 : index
      %get3A_163 = tpu.vector_load %arg14[%get3A_162] {strides = array<i32>} : memref<256xi32, #tpu.memory_space<vmem>>, vector<16xi32>,
      tpu.vector_store_idx %arg10[%get3A_163], %broadcast_in_dim3A_13 {add = true} : memref<1152xf32, #tpu.memory_space<vmem>>[vector<16xi32>], vector<16xf32>,
      %get3A_164 = arith.constant 128 : index
      %get3A_165 = tpu.vector_load %arg14[%get3A_164] {strides = array<i32>} : memref<256xi32, #tpu.memory_space<vmem>>, vector<16xi32>,
      tpu.vector_store_idx %arg10[%get3A_165], %broadcast_in_dim3A_13 {add = true} : memref<1152xf32, #tpu.memory_space<vmem>>[vector<16xi32>], vector<16xf32>,
      %get3A_166 = arith.constant 144 : index
      %get3A_167 = tpu.vector_load %arg14[%get3A_166] {strides = array<i32>} : memref<256xi32, #tpu.memory_space<vmem>>, vector<16xi32>,
      tpu.vector_store_idx %arg10[%get3A_167], %broadcast_in_dim3A_13 {add = true} : memref<1152xf32, #tpu.memory_space<vmem>>[vector<16xi32>], vector<16xf32>,
      %get3A_168 = arith.constant 160 : index
      %get3A_169 = tpu.vector_load %arg14[%get3A_168] {strides = array<i32>} : memref<256xi32, #tpu.memory_space<vmem>>, vector<16xi32>,
      tpu.vector_store_idx %arg10[%get3A_169], %broadcast_in_dim3A_13 {add = true} : memref<1152xf32, #tpu.memory_space<vmem>>[vector<16xi32>], vector<16xf32>,
      %get3A_170 = arith.constant 176 : index
      %get3A_171 = tpu.vector_load %arg14[%get3A_170] {strides = array<i32>} : memref<256xi32, #tpu.memory_space<vmem>>, vector<16xi32>,
      tpu.vector_store_idx %arg10[%get3A_171], %broadcast_in_dim3A_13 {add = true} : memref<1152xf32, #tpu.memory_space<vmem>>[vector<16xi32>], vector<16xf32>,
      %get3A_172 = arith.constant 192 : index
      %get3A_173 = tpu.vector_load %arg14[%get3A_172] {strides = array<i32>} : memref<256xi32, #tpu.memory_space<vmem>>, vector<16xi32>,
      tpu.vector_store_idx %arg10[%get3A_173], %broadcast_in_dim3A_13 {add = true} : memref<1152xf32, #tpu.memory_space<vmem>>[vector<16xi32>], vector<16xf32>,
      %get3A_174 = arith.constant 208 : index
      %get3A_175 = tpu.vector_load %arg14[%get3A_174] {strides = array<i32>} : memref<256xi32, #tpu.memory_space<vmem>>, vector<16xi32>,
      tpu.vector_store_idx %arg10[%get3A_175], %broadcast_in_dim3A_13 {add = true} : memref<1152xf32, #tpu.memory_space<vmem>>[vector<16xi32>], vector<16xf32>,
      %get3A_176 = arith.constant 224 : index
      %get3A_177 = tpu.vector_load %arg14[%get3A_176] {strides = array<i32>} : memref<256xi32, #tpu.memory_space<vmem>>, vector<16xi32>,
      tpu.vector_store_idx %arg10[%get3A_177], %broadcast_in_dim3A_13 {add = true} : memref<1152xf32, #tpu.memory_space<vmem>>[vector<16xi32>], vector<16xf32>,
      %get3A_178 = arith.constant 240 : index
      %get3A_179 = tpu.vector_load %arg14[%get3A_178] {strides = array<i32>} : memref<256xi32, #tpu.memory_space<vmem>>, vector<16xi32>,
      tpu.vector_store_idx %arg10[%get3A_179], %broadcast_in_dim3A_13 {add = true} : memref<1152xf32, #tpu.memory_space<vmem>>[vector<16xi32>], vector<16xf32>,
      %add3A_180 = arith.constant 1 : i32
      %add3A_181 = arith.addi %scan3A_68, %add3A_180 : i32
      %lt3A_182 = arith.constant 10 : i32
      %lt3A_183 = arith.cmpi slt, %add3A_181, %lt3A_182 : i32
      %convert_element_type3A_184 = arith.extui %lt3A_183 : i1 to i32
      %cond3A_185 = arith.constant 0 : i32
      %cond3A_186 = arith.cmpi ne, %convert_element_type3A_184, %cond3A_185 : i32
      scf.if %cond3A_186 {
        %add3A_187 = arith.constant 3 : i32
        %add3A_188 = arith.addi %mul3A_70, %add3A_187 : i32
        %add3A_189 = arith.addi %mul3A_4, %add3A_188 : i32
        %dma_start3A_190 = arith.constant 0 : i32
        %dma_start3A_191 = tpu.memref_slice %arg3[%add3A_189, %dma_start3A_190] : memref<640x512xi32, #tpu.memory_space<hbm>> -> memref<1x256xi32, #tpu.memory_space<hbm>>
        %dma_start3A_192 = tpu.memref_squeeze %dma_start3A_191 : memref<1x256xi32, #tpu.memory_space<hbm>> -> memref<256xi32, #tpu.memory_space<hbm>>
        %dma_start3A_193 = arith.constant 0 : i32
        %dma_start3A_194 = tpu.memref_slice %arg3[%add3A_189, %dma_start3A_193] : memref<640x512xi32, #tpu.memory_space<hbm>> -> memref<1x256xi32, #tpu.memory_space<hbm>>
        %dma_start3A_195 = tpu.memref_squeeze %dma_start3A_194 : memref<1x256xi32, #tpu.memory_space<hbm>> -> memref<256xi32, #tpu.memory_space<hbm>>
        tpu.enqueue_dma source(%dma_start3A_195 : memref<256xi32, #tpu.memory_space<hbm>>) target(%arg12 : memref<256xi32, #tpu.memory_space<vmem>>) target_semaphore(%arg19 : memref<!tpu.dma_semaphore, #tpu.memory_space<semaphore_mem>>)
        %dma_start3A_196 = arith.constant 256 : i32
        %dma_start3A_197 = tpu.memref_slice %arg3[%add3A_189, %dma_start3A_196] : memref<640x512xi32, #tpu.memory_space<hbm>> -> memref<1x256xi32, #tpu.memory_space<hbm>>
        %dma_start3A_198 = tpu.memref_squeeze %dma_start3A_197 : memref<1x256xi32, #tpu.memory_space<hbm>> -> memref<256xi32, #tpu.memory_space<hbm>>
        %dma_start3A_199 = arith.constant 256 : i32
        %dma_start3A_200 = tpu.memref_slice %arg3[%add3A_189, %dma_start3A_199] : memref<640x512xi32, #tpu.memory_space<hbm>> -> memref<1x256xi32, #tpu.memory_space<hbm>>
        %dma_start3A_201 = tpu.memref_squeeze %dma_start3A_200 : memref<1x256xi32, #tpu.memory_space<hbm>> -> memref<256xi32, #tpu.memory_space<hbm>>
        tpu.enqueue_dma source(%dma_start3A_201 : memref<256xi32, #tpu.memory_space<hbm>>) target(%arg14 : memref<256xi32, #tpu.memory_space<vmem>>) target_semaphore(%arg19 : memref<!tpu.dma_semaphore, #tpu.memory_space<semaphore_mem>>)
        %dma_wait3A_202 = arith.constant 0 : i32
        %dma_wait3A_203 = arith.constant 0 : i32
        %dma_wait3A_204 = tpu.memref_slice %arg3[%dma_wait3A_202, %dma_wait3A_203] : memref<640x512xi32, #tpu.memory_space<hbm>> -> memref<1x256xi32, #tpu.memory_space<hbm>>
        %dma_wait3A_205 = tpu.memref_squeeze %dma_wait3A_204 : memref<1x256xi32, #tpu.memory_space<hbm>> -> memref<256xi32, #tpu.memory_space<hbm>>
        %dma_wait3A_206 = arith.constant 0 : i32
        %dma_wait3A_207 = tpu.memref_slice %arg3[%dma_wait3A_202, %dma_wait3A_206] : memref<640x512xi32, #tpu.memory_space<hbm>> -> memref<1x256xi32, #tpu.memory_space<hbm>>
        %dma_wait3A_208 = tpu.memref_squeeze %dma_wait3A_207 : memref<1x256xi32, #tpu.memory_space<hbm>> -> memref<256xi32, #tpu.memory_space<hbm>>
        tpu.wait_dma2 semaphore(%arg18 : memref<!tpu.dma_semaphore, #tpu.memory_space<semaphore_mem>>) src(%dma_wait3A_208 : memref<256xi32, #tpu.memory_space<hbm>>) dst(%arg11 : memref<256xi32, #tpu.memory_space<vmem>>)
        %dma_wait3A_209 = arith.constant 0 : i32
        %dma_wait3A_210 = arith.constant 256 : i32
        %dma_wait3A_211 = tpu.memref_slice %arg3[%dma_wait3A_209, %dma_wait3A_210] : memref<640x512xi32, #tpu.memory_space<hbm>> -> memref<1x256xi32, #tpu.memory_space<hbm>>
        %dma_wait3A_212 = tpu.memref_squeeze %dma_wait3A_211 : memref<1x256xi32, #tpu.memory_space<hbm>> -> memref<256xi32, #tpu.memory_space<hbm>>
        %dma_wait3A_213 = arith.constant 256 : i32
        %dma_wait3A_214 = tpu.memref_slice %arg3[%dma_wait3A_209, %dma_wait3A_213] : memref<640x512xi32, #tpu.memory_space<hbm>> -> memref<1x256xi32, #tpu.memory_space<hbm>>
        %dma_wait3A_215 = tpu.memref_squeeze %dma_wait3A_214 : memref<1x256xi32, #tpu.memory_space<hbm>> -> memref<256xi32, #tpu.memory_space<hbm>>
        tpu.wait_dma2 semaphore(%arg18 : memref<!tpu.dma_semaphore, #tpu.memory_space<semaphore_mem>>) src(%dma_wait3A_215 : memref<256xi32, #tpu.memory_space<hbm>>) dst(%arg13 : memref<256xi32, #tpu.memory_space<vmem>>)
        %dma_start3A_216 = arith.constant 0 : i32
        %dma_start3A_217 = arith.constant 0 : i32
        %dma_start3A_218 = arith.constant 0 : i32
        %dma_start3A_219 = tpu.memref_slice %arg15[%dma_start3A_216, %dma_start3A_217, %dma_start3A_218] : memref<2x256x128xf32, #tpu.memory_space<vmem>> -> memref<1x256x128xf32, #tpu.memory_space<vmem>>
        %dma_start3A_220 = tpu.memref_squeeze %dma_start3A_219 : memref<1x256x128xf32, #tpu.memory_space<vmem>> -> memref<256x128xf32, #tpu.memory_space<vmem>>
        %dma_start3A_221 = arith.constant 0 : i32
        %dma_start3A_222 = arith.constant 0 : i32
        %dma_start3A_223 = tpu.memref_slice %arg9[%dma_start3A_221, %dma_start3A_222] : memref<5000x128xf32, #tpu.memory_space<vmem_shared>> -> memref<5000x128xf32, #tpu.memory_space<vmem_shared>>
        tpu.enqueue_indirect_dma source(%dma_start3A_223 : memref<5000x128xf32, #tpu.memory_space<vmem_shared>>) target(%dma_start3A_220 : memref<256x128xf32, #tpu.memory_space<vmem>>) offsets(%arg11 : memref<256xi32, #tpu.memory_space<vmem>>) semaphore(%arg16 : memref<!tpu.dma_semaphore, #tpu.memory_space<semaphore_mem>>)
      } else {
      }
    }
    %scan3A_66 = arith.constant 10 : i32
    %barrier3A_67 = arith.constant 0 : index
    tpu.barrier barrier_id(%barrier3A_67)
    "tpu.region"() ({
      %run_scoped3A = tpu.sem_alloc : memref<!tpu.dma_semaphore, #tpu.memory_space<semaphore_mem>>
      %dma_start3A_68 = arith.constant 0 : i32
      %dma_start3A_69 = tpu.memref_slice %arg6[%arg0, %mul3A_2, %dma_start3A_68] : memref<2x1152x128xf32, #tpu.memory_space<hbm>> -> memref<1x72x128xf32, #tpu.memory_space<hbm>>
      %dma_start3A_70 = tpu.memref_squeeze %dma_start3A_69 : memref<1x72x128xf32, #tpu.memory_space<hbm>> -> memref<72x128xf32, #tpu.memory_space<hbm>>
      %dma_start3A_71 = arith.constant 0 : i32
      %dma_start3A_72 = tpu.memref_slice %arg8[%mul3A_2, %dma_start3A_71] : memref<1152x128xf32, #tpu.memory_space<vmem_shared>> -> memref<72x128xf32, #tpu.memory_space<vmem_shared>>
      tpu.enqueue_dma source(%dma_start3A_72 : memref<72x128xf32, #tpu.memory_space<vmem_shared>>) target(%dma_start3A_70 : memref<72x128xf32, #tpu.memory_space<hbm>>) target_semaphore(%run_scoped3A : memref<!tpu.dma_semaphore, #tpu.memory_space<semaphore_mem>>)
      %dma_wait3A_73 = arith.constant 0 : i32
      %dma_wait3A_74 = tpu.memref_slice %arg6[%arg0, %mul3A_2, %dma_wait3A_73] : memref<2x1152x128xf32, #tpu.memory_space<hbm>> -> memref<1x72x128xf32, #tpu.memory_space<hbm>>
      %dma_wait3A_75 = tpu.memref_squeeze %dma_wait3A_74 : memref<1x72x128xf32, #tpu.memory_space<hbm>> -> memref<72x128xf32, #tpu.memory_space<hbm>>
      %dma_wait3A_76 = arith.constant 0 : i32
      %dma_wait3A_77 = tpu.memref_slice %arg8[%mul3A_2, %dma_wait3A_76] : memref<1152x128xf32, #tpu.memory_space<vmem_shared>> -> memref<72x128xf32, #tpu.memory_space<vmem_shared>>
      tpu.wait_dma2 semaphore(%run_scoped3A : memref<!tpu.dma_semaphore, #tpu.memory_space<semaphore_mem>>) src(%dma_wait3A_77 : memref<72x128xf32, #tpu.memory_space<vmem_shared>>) dst(%dma_wait3A_75 : memref<72x128xf32, #tpu.memory_space<hbm>>)
      tpu.yield
    }) : () -> ()
    "tpu.region"() ({
      %run_scoped3A = tpu.sem_alloc : memref<!tpu.dma_semaphore, #tpu.memory_space<semaphore_mem>>
      %dma_start3A_68 = arith.constant 0 : i32
      %dma_start3A_69 = tpu.memref_slice %arg7[%add3A, %dma_start3A_68] : memref<32x1152xf32, #tpu.memory_space<hbm>> -> memref<1x1152xf32, #tpu.memory_space<hbm>>
      %dma_start3A_70 = tpu.memref_squeeze %dma_start3A_69 : memref<1x1152xf32, #tpu.memory_space<hbm>> -> memref<1152xf32, #tpu.memory_space<hbm>>
      %dma_start3A_71 = arith.constant 0 : i32
      %dma_start3A_72 = tpu.memref_slice %arg7[%add3A, %dma_start3A_71] : memref<32x1152xf32, #tpu.memory_space<hbm>> -> memref<1x1152xf32, #tpu.memory_space<hbm>>
      %dma_start3A_73 = tpu.memref_squeeze %dma_start3A_72 : memref<1x1152xf32, #tpu.memory_space<hbm>> -> memref<1152xf32, #tpu.memory_space<hbm>>
      tpu.enqueue_dma source(%arg10 : memref<1152xf32, #tpu.memory_space<vmem>>) target(%dma_start3A_73 : memref<1152xf32, #tpu.memory_space<hbm>>) target_semaphore(%run_scoped3A : memref<!tpu.dma_semaphore, #tpu.memory_space<semaphore_mem>>)
      %dma_wait3A_74 = arith.constant 0 : i32
      %dma_wait3A_75 = tpu.memref_slice %arg7[%add3A, %dma_wait3A_74] : memref<32x1152xf32, #tpu.memory_space<hbm>> -> memref<1x1152xf32, #tpu.memory_space<hbm>>
      %dma_wait3A_76 = tpu.memref_squeeze %dma_wait3A_75 : memref<1x1152xf32, #tpu.memory_space<hbm>> -> memref<1152xf32, #tpu.memory_space<hbm>>
      %dma_wait3A_77 = arith.constant 0 : i32
      %dma_wait3A_78 = tpu.memref_slice %arg7[%add3A, %dma_wait3A_77] : memref<32x1152xf32, #tpu.memory_space<hbm>> -> memref<1x1152xf32, #tpu.memory_space<hbm>>
      %dma_wait3A_79 = tpu.memref_squeeze %dma_wait3A_78 : memref<1x1152xf32, #tpu.memory_space<hbm>> -> memref<1152xf32, #tpu.memory_space<hbm>>
      tpu.wait_dma2 semaphore(%run_scoped3A : memref<!tpu.dma_semaphore, #tpu.memory_space<semaphore_mem>>) src(%arg10 : memref<1152xf32, #tpu.memory_space<vmem>>) dst(%dma_wait3A_79 : memref<1152xf32, #tpu.memory_space<hbm>>)
      tpu.yield
    }) : () -> ()
    return
  }
}

#map = affine_map<(d0, d1) -> (0, 0)>
#map1 = affine_map<(d0, d1) -> (0)>
#map2 = affine_map<(d0, d1) -> (0, 0, 0)>
module attributes {stable_mosaic.version = 14 : i64} {
  func.func @agg(%arg0: i32, %arg1: i32, %arg2: memref<10000x128xf32, #tpu.memory_space<hbm>>, %arg3: memref<1280x512xi32, #tpu.memory_space<hbm>>, %arg4: memref<5120x128xf32, #tpu.memory_space<hbm>>, %arg5: memref<5120xf32, #tpu.memory_space<hbm>>, %arg6: memref<2x5120x128xf32, #tpu.memory_space<hbm>>, %arg7: memref<32x5120xf32, #tpu.memory_space<hbm>>, %arg8: memref<5120x128xf32, #tpu.memory_space<vmem_shared>>, %arg9: memref<8x128xf32, #tpu.memory_space<vmem_shared>>, %arg10: memref<5120xf32, #tpu.memory_space<vmem>>, %arg11: memref<256xi32, #tpu.memory_space<vmem>>, %arg12: memref<256xi32, #tpu.memory_space<vmem>>, %arg13: memref<256xi32, #tpu.memory_space<vmem>>, %arg14: memref<256xi32, #tpu.memory_space<vmem>>, %arg15: memref<2x256x128xf32, #tpu.memory_space<vmem>>, %arg16: memref<!tpu.dma_semaphore, #tpu.memory_space<semaphore_mem>>, %arg17: memref<!tpu.dma_semaphore, #tpu.memory_space<semaphore_mem>>, %arg18: memref<!tpu.dma_semaphore, #tpu.memory_space<semaphore_mem>>, %arg19: memref<!tpu.dma_semaphore, #tpu.memory_space<semaphore_mem>>) attributes {dimension_semantics = [#tpu.dimension_semantics<core_parallel>, #tpu.dimension_semantics<subcore_parallel>], iteration_bounds = array<i64: 2, 16>, scalar_prefetch = 0 : i64, scratch_operands = 12 : i64, tpu.core_type = #tpu.core_type<sc_vector_subcore>, window_params = [{transform_indices = #map}, {transform_indices = #map}, {transform_indices = #map}, {transform_indices = #map1}, {transform_indices = #map2}, {transform_indices = #map}]} {
    %mul3A = arith.constant 16 : i32
    %mul3A_0 = arith.muli %arg0, %mul3A : i32
    %add3A = arith.addi %mul3A_0, %arg1 : i32
    %mul3A_1 = arith.constant 320 : i32
    %mul3A_2 = arith.muli %arg1, %mul3A_1 : i32
    %mul3A_3 = arith.constant 40 : i32
    %mul3A_4 = arith.muli %add3A, %mul3A_3 : i32
    "tpu.region"() ({
      %run_scoped3A = tpu.sem_alloc : memref<!tpu.dma_semaphore, #tpu.memory_space<semaphore_mem>>
      %dma_start3A_60 = arith.constant 0 : i32
      %dma_start3A_61 = tpu.memref_slice %arg8[%mul3A_2, %dma_start3A_60] : memref<5120x128xf32, #tpu.memory_space<vmem_shared>> -> memref<320x128xf32, #tpu.memory_space<vmem_shared>>
      %dma_start3A_62 = arith.constant 0 : i32
      %dma_start3A_63 = tpu.memref_slice %arg4[%mul3A_2, %dma_start3A_62] : memref<5120x128xf32, #tpu.memory_space<hbm>> -> memref<320x128xf32, #tpu.memory_space<hbm>>
      tpu.enqueue_dma source(%dma_start3A_63 : memref<320x128xf32, #tpu.memory_space<hbm>>) target(%dma_start3A_61 : memref<320x128xf32, #tpu.memory_space<vmem_shared>>) target_semaphore(%run_scoped3A : memref<!tpu.dma_semaphore, #tpu.memory_space<semaphore_mem>>)
      %dma_wait3A_64 = arith.constant 0 : i32
      %dma_wait3A_65 = tpu.memref_slice %arg8[%mul3A_2, %dma_wait3A_64] : memref<5120x128xf32, #tpu.memory_space<vmem_shared>> -> memref<320x128xf32, #tpu.memory_space<vmem_shared>>
      %dma_wait3A_66 = arith.constant 0 : i32
      %dma_wait3A_67 = tpu.memref_slice %arg4[%mul3A_2, %dma_wait3A_66] : memref<5120x128xf32, #tpu.memory_space<hbm>> -> memref<320x128xf32, #tpu.memory_space<hbm>>
      tpu.wait_dma2 semaphore(%run_scoped3A : memref<!tpu.dma_semaphore, #tpu.memory_space<semaphore_mem>>) src(%dma_wait3A_67 : memref<320x128xf32, #tpu.memory_space<hbm>>) dst(%dma_wait3A_65 : memref<320x128xf32, #tpu.memory_space<vmem_shared>>)
      tpu.yield
    }) : () -> ()
    "tpu.region"() ({
      %run_scoped3A = tpu.sem_alloc : memref<!tpu.dma_semaphore, #tpu.memory_space<semaphore_mem>>
      tpu.enqueue_dma source(%arg5 : memref<5120xf32, #tpu.memory_space<hbm>>) target(%arg10 : memref<5120xf32, #tpu.memory_space<vmem>>) target_semaphore(%run_scoped3A : memref<!tpu.dma_semaphore, #tpu.memory_space<semaphore_mem>>)
      tpu.wait_dma2 semaphore(%run_scoped3A : memref<!tpu.dma_semaphore, #tpu.memory_space<semaphore_mem>>) src(%arg5 : memref<5120xf32, #tpu.memory_space<hbm>>) dst(%arg10 : memref<5120xf32, #tpu.memory_space<vmem>>)
      tpu.yield
    }) : () -> ()
    %barrier3A = arith.constant 0 : index
    tpu.barrier barrier_id(%barrier3A)
    %broadcast_in_dim3A = arith.constant 1.000000e+00 : f32
    %broadcast_in_dim3A_5 = vector.broadcast %broadcast_in_dim3A : f32 to vector<16xf32>
    %add3A_6 = arith.constant 0 : i32
    %add3A_7 = arith.addi %mul3A_4, %add3A_6 : i32
    %dma_start3A = arith.constant 0 : i32
    %dma_start3A_8 = tpu.memref_slice %arg3[%add3A_7, %dma_start3A] : memref<1280x512xi32, #tpu.memory_space<hbm>> -> memref<1x256xi32, #tpu.memory_space<hbm>>
    %dma_start3A_9 = tpu.memref_squeeze %dma_start3A_8 : memref<1x256xi32, #tpu.memory_space<hbm>> -> memref<256xi32, #tpu.memory_space<hbm>>
    %dma_start3A_10 = arith.constant 0 : i32
    %dma_start3A_11 = tpu.memref_slice %arg3[%add3A_7, %dma_start3A_10] : memref<1280x512xi32, #tpu.memory_space<hbm>> -> memref<1x256xi32, #tpu.memory_space<hbm>>
    %dma_start3A_12 = tpu.memref_squeeze %dma_start3A_11 : memref<1x256xi32, #tpu.memory_space<hbm>> -> memref<256xi32, #tpu.memory_space<hbm>>
    tpu.enqueue_dma source(%dma_start3A_12 : memref<256xi32, #tpu.memory_space<hbm>>) target(%arg11 : memref<256xi32, #tpu.memory_space<vmem>>) target_semaphore(%arg18 : memref<!tpu.dma_semaphore, #tpu.memory_space<semaphore_mem>>)
    %dma_start3A_13 = arith.constant 256 : i32
    %dma_start3A_14 = tpu.memref_slice %arg3[%add3A_7, %dma_start3A_13] : memref<1280x512xi32, #tpu.memory_space<hbm>> -> memref<1x256xi32, #tpu.memory_space<hbm>>
    %dma_start3A_15 = tpu.memref_squeeze %dma_start3A_14 : memref<1x256xi32, #tpu.memory_space<hbm>> -> memref<256xi32, #tpu.memory_space<hbm>>
    %dma_start3A_16 = arith.constant 256 : i32
    %dma_start3A_17 = tpu.memref_slice %arg3[%add3A_7, %dma_start3A_16] : memref<1280x512xi32, #tpu.memory_space<hbm>> -> memref<1x256xi32, #tpu.memory_space<hbm>>
    %dma_start3A_18 = tpu.memref_squeeze %dma_start3A_17 : memref<1x256xi32, #tpu.memory_space<hbm>> -> memref<256xi32, #tpu.memory_space<hbm>>
    tpu.enqueue_dma source(%dma_start3A_18 : memref<256xi32, #tpu.memory_space<hbm>>) target(%arg13 : memref<256xi32, #tpu.memory_space<vmem>>) target_semaphore(%arg18 : memref<!tpu.dma_semaphore, #tpu.memory_space<semaphore_mem>>)
    %dma_wait3A = arith.constant 0 : i32
    %dma_wait3A_19 = arith.constant 0 : i32
    %dma_wait3A_20 = tpu.memref_slice %arg3[%dma_wait3A, %dma_wait3A_19] : memref<1280x512xi32, #tpu.memory_space<hbm>> -> memref<1x256xi32, #tpu.memory_space<hbm>>
    %dma_wait3A_21 = tpu.memref_squeeze %dma_wait3A_20 : memref<1x256xi32, #tpu.memory_space<hbm>> -> memref<256xi32, #tpu.memory_space<hbm>>
    %dma_wait3A_22 = arith.constant 0 : i32
    %dma_wait3A_23 = tpu.memref_slice %arg3[%dma_wait3A, %dma_wait3A_22] : memref<1280x512xi32, #tpu.memory_space<hbm>> -> memref<1x256xi32, #tpu.memory_space<hbm>>
    %dma_wait3A_24 = tpu.memref_squeeze %dma_wait3A_23 : memref<1x256xi32, #tpu.memory_space<hbm>> -> memref<256xi32, #tpu.memory_space<hbm>>
    tpu.wait_dma2 semaphore(%arg18 : memref<!tpu.dma_semaphore, #tpu.memory_space<semaphore_mem>>) src(%dma_wait3A_24 : memref<256xi32, #tpu.memory_space<hbm>>) dst(%arg11 : memref<256xi32, #tpu.memory_space<vmem>>)
    %dma_wait3A_25 = arith.constant 0 : i32
    %dma_wait3A_26 = arith.constant 256 : i32
    %dma_wait3A_27 = tpu.memref_slice %arg3[%dma_wait3A_25, %dma_wait3A_26] : memref<1280x512xi32, #tpu.memory_space<hbm>> -> memref<1x256xi32, #tpu.memory_space<hbm>>
    %dma_wait3A_28 = tpu.memref_squeeze %dma_wait3A_27 : memref<1x256xi32, #tpu.memory_space<hbm>> -> memref<256xi32, #tpu.memory_space<hbm>>
    %dma_wait3A_29 = arith.constant 256 : i32
    %dma_wait3A_30 = tpu.memref_slice %arg3[%dma_wait3A_25, %dma_wait3A_29] : memref<1280x512xi32, #tpu.memory_space<hbm>> -> memref<1x256xi32, #tpu.memory_space<hbm>>
    %dma_wait3A_31 = tpu.memref_squeeze %dma_wait3A_30 : memref<1x256xi32, #tpu.memory_space<hbm>> -> memref<256xi32, #tpu.memory_space<hbm>>
    tpu.wait_dma2 semaphore(%arg18 : memref<!tpu.dma_semaphore, #tpu.memory_space<semaphore_mem>>) src(%dma_wait3A_31 : memref<256xi32, #tpu.memory_space<hbm>>) dst(%arg13 : memref<256xi32, #tpu.memory_space<vmem>>)
    %dma_start3A_32 = arith.constant 0 : i32
    %dma_start3A_33 = arith.constant 0 : i32
    %dma_start3A_34 = arith.constant 0 : i32
    %dma_start3A_35 = tpu.memref_slice %arg15[%dma_start3A_32, %dma_start3A_33, %dma_start3A_34] : memref<2x256x128xf32, #tpu.memory_space<vmem>> -> memref<1x256x128xf32, #tpu.memory_space<vmem>>
    %dma_start3A_36 = tpu.memref_squeeze %dma_start3A_35 : memref<1x256x128xf32, #tpu.memory_space<vmem>> -> memref<256x128xf32, #tpu.memory_space<vmem>>
    %dma_start3A_37 = arith.constant 0 : i32
    %dma_start3A_38 = arith.constant 0 : i32
    %dma_start3A_39 = tpu.memref_slice %arg2[%dma_start3A_37, %dma_start3A_38] : memref<10000x128xf32, #tpu.memory_space<hbm>> -> memref<10000x128xf32, #tpu.memory_space<hbm>>
    tpu.enqueue_indirect_dma source(%dma_start3A_39 : memref<10000x128xf32, #tpu.memory_space<hbm>>) target(%dma_start3A_36 : memref<256x128xf32, #tpu.memory_space<vmem>>) offsets(%arg11 : memref<256xi32, #tpu.memory_space<vmem>>) semaphore(%arg16 : memref<!tpu.dma_semaphore, #tpu.memory_space<semaphore_mem>>)
    %add3A_40 = arith.constant 1 : i32
    %add3A_41 = arith.addi %mul3A_4, %add3A_40 : i32
    %dma_start3A_42 = arith.constant 0 : i32
    %dma_start3A_43 = tpu.memref_slice %arg3[%add3A_41, %dma_start3A_42] : memref<1280x512xi32, #tpu.memory_space<hbm>> -> memref<1x256xi32, #tpu.memory_space<hbm>>
    %dma_start3A_44 = tpu.memref_squeeze %dma_start3A_43 : memref<1x256xi32, #tpu.memory_space<hbm>> -> memref<256xi32, #tpu.memory_space<hbm>>
    %dma_start3A_45 = arith.constant 0 : i32
    %dma_start3A_46 = tpu.memref_slice %arg3[%add3A_41, %dma_start3A_45] : memref<1280x512xi32, #tpu.memory_space<hbm>> -> memref<1x256xi32, #tpu.memory_space<hbm>>
    %dma_start3A_47 = tpu.memref_squeeze %dma_start3A_46 : memref<1x256xi32, #tpu.memory_space<hbm>> -> memref<256xi32, #tpu.memory_space<hbm>>
    tpu.enqueue_dma source(%dma_start3A_47 : memref<256xi32, #tpu.memory_space<hbm>>) target(%arg12 : memref<256xi32, #tpu.memory_space<vmem>>) target_semaphore(%arg19 : memref<!tpu.dma_semaphore, #tpu.memory_space<semaphore_mem>>)
    %dma_start3A_48 = arith.constant 256 : i32
    %dma_start3A_49 = tpu.memref_slice %arg3[%add3A_41, %dma_start3A_48] : memref<1280x512xi32, #tpu.memory_space<hbm>> -> memref<1x256xi32, #tpu.memory_space<hbm>>
    %dma_start3A_50 = tpu.memref_squeeze %dma_start3A_49 : memref<1x256xi32, #tpu.memory_space<hbm>> -> memref<256xi32, #tpu.memory_space<hbm>>
    %dma_start3A_51 = arith.constant 256 : i32
    %dma_start3A_52 = tpu.memref_slice %arg3[%add3A_41, %dma_start3A_51] : memref<1280x512xi32, #tpu.memory_space<hbm>> -> memref<1x256xi32, #tpu.memory_space<hbm>>
    %dma_start3A_53 = tpu.memref_squeeze %dma_start3A_52 : memref<1x256xi32, #tpu.memory_space<hbm>> -> memref<256xi32, #tpu.memory_space<hbm>>
    tpu.enqueue_dma source(%dma_start3A_53 : memref<256xi32, #tpu.memory_space<hbm>>) target(%arg14 : memref<256xi32, #tpu.memory_space<vmem>>) target_semaphore(%arg19 : memref<!tpu.dma_semaphore, #tpu.memory_space<semaphore_mem>>)
    %scan3A = arith.constant 0 : i32
    %scan3A_54 = arith.constant 0 : i32
    %scan3A_55 = arith.constant 20 : i32
    %scan3A_56 = arith.addi %scan3A_54, %scan3A_55 : i32
    %scan3A_57 = arith.constant 1 : i32
    scf.for %scan3A_60 = %scan3A_54 to %scan3A_56 step %scan3A_57  : i32 {
      %mul3A_61 = arith.constant 2 : i32
      %mul3A_62 = arith.muli %mul3A_61, %scan3A_60 : i32
      %dma_wait3A_63 = arith.constant 0 : i32
      %dma_wait3A_64 = arith.constant 0 : i32
      %dma_wait3A_65 = arith.constant 0 : i32
      %dma_wait3A_66 = tpu.memref_slice %arg15[%dma_wait3A_63, %dma_wait3A_64, %dma_wait3A_65] : memref<2x256x128xf32, #tpu.memory_space<vmem>> -> memref<1x256x128xf32, #tpu.memory_space<vmem>>
      %dma_wait3A_67 = tpu.memref_squeeze %dma_wait3A_66 : memref<1x256x128xf32, #tpu.memory_space<vmem>> -> memref<256x128xf32, #tpu.memory_space<vmem>>
      %dma_wait3A_68 = arith.constant 0 : i32
      %dma_wait3A_69 = arith.constant 0 : i32
      %dma_wait3A_70 = tpu.memref_slice %arg2[%dma_wait3A_68, %dma_wait3A_69] : memref<10000x128xf32, #tpu.memory_space<hbm>> -> memref<10000x128xf32, #tpu.memory_space<hbm>>
      tpu.wait_indirect_dma semaphore(%arg16 : memref<!tpu.dma_semaphore, #tpu.memory_space<semaphore_mem>>) src(%dma_wait3A_70 : memref<10000x128xf32, #tpu.memory_space<hbm>>) dst(%dma_wait3A_67 : memref<256x128xf32, #tpu.memory_space<vmem>>)
      %dma_wait3A_71 = arith.constant 0 : i32
      %dma_wait3A_72 = arith.constant 0 : i32
      %dma_wait3A_73 = tpu.memref_slice %arg3[%dma_wait3A_71, %dma_wait3A_72] : memref<1280x512xi32, #tpu.memory_space<hbm>> -> memref<1x256xi32, #tpu.memory_space<hbm>>
      %dma_wait3A_74 = tpu.memref_squeeze %dma_wait3A_73 : memref<1x256xi32, #tpu.memory_space<hbm>> -> memref<256xi32, #tpu.memory_space<hbm>>
      %dma_wait3A_75 = arith.constant 0 : i32
      %dma_wait3A_76 = tpu.memref_slice %arg3[%dma_wait3A_71, %dma_wait3A_75] : memref<1280x512xi32, #tpu.memory_space<hbm>> -> memref<1x256xi32, #tpu.memory_space<hbm>>
      %dma_wait3A_77 = tpu.memref_squeeze %dma_wait3A_76 : memref<1x256xi32, #tpu.memory_space<hbm>> -> memref<256xi32, #tpu.memory_space<hbm>>
      tpu.wait_dma2 semaphore(%arg19 : memref<!tpu.dma_semaphore, #tpu.memory_space<semaphore_mem>>) src(%dma_wait3A_77 : memref<256xi32, #tpu.memory_space<hbm>>) dst(%arg12 : memref<256xi32, #tpu.memory_space<vmem>>)
      %dma_wait3A_78 = arith.constant 0 : i32
      %dma_wait3A_79 = arith.constant 256 : i32
      %dma_wait3A_80 = tpu.memref_slice %arg3[%dma_wait3A_78, %dma_wait3A_79] : memref<1280x512xi32, #tpu.memory_space<hbm>> -> memref<1x256xi32, #tpu.memory_space<hbm>>
      %dma_wait3A_81 = tpu.memref_squeeze %dma_wait3A_80 : memref<1x256xi32, #tpu.memory_space<hbm>> -> memref<256xi32, #tpu.memory_space<hbm>>
      %dma_wait3A_82 = arith.constant 256 : i32
      %dma_wait3A_83 = tpu.memref_slice %arg3[%dma_wait3A_78, %dma_wait3A_82] : memref<1280x512xi32, #tpu.memory_space<hbm>> -> memref<1x256xi32, #tpu.memory_space<hbm>>
      %dma_wait3A_84 = tpu.memref_squeeze %dma_wait3A_83 : memref<1x256xi32, #tpu.memory_space<hbm>> -> memref<256xi32, #tpu.memory_space<hbm>>
      tpu.wait_dma2 semaphore(%arg19 : memref<!tpu.dma_semaphore, #tpu.memory_space<semaphore_mem>>) src(%dma_wait3A_84 : memref<256xi32, #tpu.memory_space<hbm>>) dst(%arg14 : memref<256xi32, #tpu.memory_space<vmem>>)
      %dma_start3A_85 = arith.constant 1 : i32
      %dma_start3A_86 = arith.constant 0 : i32
      %dma_start3A_87 = arith.constant 0 : i32
      %dma_start3A_88 = tpu.memref_slice %arg15[%dma_start3A_85, %dma_start3A_86, %dma_start3A_87] : memref<2x256x128xf32, #tpu.memory_space<vmem>> -> memref<1x256x128xf32, #tpu.memory_space<vmem>>
      %dma_start3A_89 = tpu.memref_squeeze %dma_start3A_88 : memref<1x256x128xf32, #tpu.memory_space<vmem>> -> memref<256x128xf32, #tpu.memory_space<vmem>>
      %dma_start3A_90 = arith.constant 0 : i32
      %dma_start3A_91 = arith.constant 0 : i32
      %dma_start3A_92 = tpu.memref_slice %arg2[%dma_start3A_90, %dma_start3A_91] : memref<10000x128xf32, #tpu.memory_space<hbm>> -> memref<10000x128xf32, #tpu.memory_space<hbm>>
      tpu.enqueue_indirect_dma source(%dma_start3A_92 : memref<10000x128xf32, #tpu.memory_space<hbm>>) target(%dma_start3A_89 : memref<256x128xf32, #tpu.memory_space<vmem>>) offsets(%arg12 : memref<256xi32, #tpu.memory_space<vmem>>) semaphore(%arg17 : memref<!tpu.dma_semaphore, #tpu.memory_space<semaphore_mem>>)
      %run_scoped3A = arith.constant 0 : i32
      "tpu.region"() ({
        %run_scoped3A_176 = tpu.sem_alloc : memref<!tpu.dma_semaphore, #tpu.memory_space<semaphore_mem>>
        %dma_start3A_177 = arith.constant 0 : i32
        %dma_start3A_178 = arith.constant 0 : i32
        %dma_start3A_179 = tpu.memref_slice %arg15[%run_scoped3A, %dma_start3A_177, %dma_start3A_178] : memref<2x256x128xf32, #tpu.memory_space<vmem>> -> memref<1x256x128xf32, #tpu.memory_space<vmem>>
        %dma_start3A_180 = tpu.memref_squeeze %dma_start3A_179 : memref<1x256x128xf32, #tpu.memory_space<vmem>> -> memref<256x128xf32, #tpu.memory_space<vmem>>
        %dma_start3A_181 = arith.constant 0 : i32
        %dma_start3A_182 = arith.constant 0 : i32
        %dma_start3A_183 = tpu.memref_slice %arg8[%dma_start3A_181, %dma_start3A_182] : memref<5120x128xf32, #tpu.memory_space<vmem_shared>> -> memref<5120x128xf32, #tpu.memory_space<vmem_shared>>
        tpu.enqueue_indirect_dma source(%dma_start3A_180 : memref<256x128xf32, #tpu.memory_space<vmem>>) target(%dma_start3A_183 : memref<5120x128xf32, #tpu.memory_space<vmem_shared>>) offsets(%arg13 : memref<256xi32, #tpu.memory_space<vmem>>) semaphore(%run_scoped3A_176 : memref<!tpu.dma_semaphore, #tpu.memory_space<semaphore_mem>>) {add = true}
        %dma_wait3A_184 = arith.constant 0 : i32
        %dma_wait3A_185 = arith.constant 0 : i32
        %dma_wait3A_186 = tpu.memref_slice %arg15[%run_scoped3A, %dma_wait3A_184, %dma_wait3A_185] : memref<2x256x128xf32, #tpu.memory_space<vmem>> -> memref<1x256x128xf32, #tpu.memory_space<vmem>>
        %dma_wait3A_187 = tpu.memref_squeeze %dma_wait3A_186 : memref<1x256x128xf32, #tpu.memory_space<vmem>> -> memref<256x128xf32, #tpu.memory_space<vmem>>
        %dma_wait3A_188 = arith.constant 0 : i32
        %dma_wait3A_189 = arith.constant 0 : i32
        %dma_wait3A_190 = tpu.memref_slice %arg8[%dma_wait3A_188, %dma_wait3A_189] : memref<5120x128xf32, #tpu.memory_space<vmem_shared>> -> memref<5120x128xf32, #tpu.memory_space<vmem_shared>>
        tpu.wait_indirect_dma semaphore(%run_scoped3A_176 : memref<!tpu.dma_semaphore, #tpu.memory_space<semaphore_mem>>) src(%dma_wait3A_187 : memref<256x128xf32, #tpu.memory_space<vmem>>) dst(%dma_wait3A_190 : memref<5120x128xf32, #tpu.memory_space<vmem_shared>>)
        tpu.yield
      }) : () -> ()
      %get3A = arith.constant 0 : index
      %get3A_93 = tpu.vector_load %arg13[%get3A] {strides = array<i32>} : memref<256xi32, #tpu.memory_space<vmem>>, vector<16xi32>,
      tpu.vector_store_idx %arg10[%get3A_93], %broadcast_in_dim3A_5 {add = true} : memref<5120xf32, #tpu.memory_space<vmem>>[vector<16xi32>], vector<16xf32>,
      %get3A_94 = arith.constant 16 : index
      %get3A_95 = tpu.vector_load %arg13[%get3A_94] {strides = array<i32>} : memref<256xi32, #tpu.memory_space<vmem>>, vector<16xi32>,
      tpu.vector_store_idx %arg10[%get3A_95], %broadcast_in_dim3A_5 {add = true} : memref<5120xf32, #tpu.memory_space<vmem>>[vector<16xi32>], vector<16xf32>,
      %get3A_96 = arith.constant 32 : index
      %get3A_97 = tpu.vector_load %arg13[%get3A_96] {strides = array<i32>} : memref<256xi32, #tpu.memory_space<vmem>>, vector<16xi32>,
      tpu.vector_store_idx %arg10[%get3A_97], %broadcast_in_dim3A_5 {add = true} : memref<5120xf32, #tpu.memory_space<vmem>>[vector<16xi32>], vector<16xf32>,
      %get3A_98 = arith.constant 48 : index
      %get3A_99 = tpu.vector_load %arg13[%get3A_98] {strides = array<i32>} : memref<256xi32, #tpu.memory_space<vmem>>, vector<16xi32>,
      tpu.vector_store_idx %arg10[%get3A_99], %broadcast_in_dim3A_5 {add = true} : memref<5120xf32, #tpu.memory_space<vmem>>[vector<16xi32>], vector<16xf32>,
      %get3A_100 = arith.constant 64 : index
      %get3A_101 = tpu.vector_load %arg13[%get3A_100] {strides = array<i32>} : memref<256xi32, #tpu.memory_space<vmem>>, vector<16xi32>,
      tpu.vector_store_idx %arg10[%get3A_101], %broadcast_in_dim3A_5 {add = true} : memref<5120xf32, #tpu.memory_space<vmem>>[vector<16xi32>], vector<16xf32>,
      %get3A_102 = arith.constant 80 : index
      %get3A_103 = tpu.vector_load %arg13[%get3A_102] {strides = array<i32>} : memref<256xi32, #tpu.memory_space<vmem>>, vector<16xi32>,
      tpu.vector_store_idx %arg10[%get3A_103], %broadcast_in_dim3A_5 {add = true} : memref<5120xf32, #tpu.memory_space<vmem>>[vector<16xi32>], vector<16xf32>,
      %get3A_104 = arith.constant 96 : index
      %get3A_105 = tpu.vector_load %arg13[%get3A_104] {strides = array<i32>} : memref<256xi32, #tpu.memory_space<vmem>>, vector<16xi32>,
      tpu.vector_store_idx %arg10[%get3A_105], %broadcast_in_dim3A_5 {add = true} : memref<5120xf32, #tpu.memory_space<vmem>>[vector<16xi32>], vector<16xf32>,
      %get3A_106 = arith.constant 112 : index
      %get3A_107 = tpu.vector_load %arg13[%get3A_106] {strides = array<i32>} : memref<256xi32, #tpu.memory_space<vmem>>, vector<16xi32>,
      tpu.vector_store_idx %arg10[%get3A_107], %broadcast_in_dim3A_5 {add = true} : memref<5120xf32, #tpu.memory_space<vmem>>[vector<16xi32>], vector<16xf32>,
      %get3A_108 = arith.constant 128 : index
      %get3A_109 = tpu.vector_load %arg13[%get3A_108] {strides = array<i32>} : memref<256xi32, #tpu.memory_space<vmem>>, vector<16xi32>,
      tpu.vector_store_idx %arg10[%get3A_109], %broadcast_in_dim3A_5 {add = true} : memref<5120xf32, #tpu.memory_space<vmem>>[vector<16xi32>], vector<16xf32>,
      %get3A_110 = arith.constant 144 : index
      %get3A_111 = tpu.vector_load %arg13[%get3A_110] {strides = array<i32>} : memref<256xi32, #tpu.memory_space<vmem>>, vector<16xi32>,
      tpu.vector_store_idx %arg10[%get3A_111], %broadcast_in_dim3A_5 {add = true} : memref<5120xf32, #tpu.memory_space<vmem>>[vector<16xi32>], vector<16xf32>,
      %get3A_112 = arith.constant 160 : index
      %get3A_113 = tpu.vector_load %arg13[%get3A_112] {strides = array<i32>} : memref<256xi32, #tpu.memory_space<vmem>>, vector<16xi32>,
      tpu.vector_store_idx %arg10[%get3A_113], %broadcast_in_dim3A_5 {add = true} : memref<5120xf32, #tpu.memory_space<vmem>>[vector<16xi32>], vector<16xf32>,
      %get3A_114 = arith.constant 176 : index
      %get3A_115 = tpu.vector_load %arg13[%get3A_114] {strides = array<i32>} : memref<256xi32, #tpu.memory_space<vmem>>, vector<16xi32>,
      tpu.vector_store_idx %arg10[%get3A_115], %broadcast_in_dim3A_5 {add = true} : memref<5120xf32, #tpu.memory_space<vmem>>[vector<16xi32>], vector<16xf32>,
      %get3A_116 = arith.constant 192 : index
      %get3A_117 = tpu.vector_load %arg13[%get3A_116] {strides = array<i32>} : memref<256xi32, #tpu.memory_space<vmem>>, vector<16xi32>,
      tpu.vector_store_idx %arg10[%get3A_117], %broadcast_in_dim3A_5 {add = true} : memref<5120xf32, #tpu.memory_space<vmem>>[vector<16xi32>], vector<16xf32>,
      %get3A_118 = arith.constant 208 : index
      %get3A_119 = tpu.vector_load %arg13[%get3A_118] {strides = array<i32>} : memref<256xi32, #tpu.memory_space<vmem>>, vector<16xi32>,
      tpu.vector_store_idx %arg10[%get3A_119], %broadcast_in_dim3A_5 {add = true} : memref<5120xf32, #tpu.memory_space<vmem>>[vector<16xi32>], vector<16xf32>,
      %get3A_120 = arith.constant 224 : index
      %get3A_121 = tpu.vector_load %arg13[%get3A_120] {strides = array<i32>} : memref<256xi32, #tpu.memory_space<vmem>>, vector<16xi32>,
      tpu.vector_store_idx %arg10[%get3A_121], %broadcast_in_dim3A_5 {add = true} : memref<5120xf32, #tpu.memory_space<vmem>>[vector<16xi32>], vector<16xf32>,
      %get3A_122 = arith.constant 240 : index
      %get3A_123 = tpu.vector_load %arg13[%get3A_122] {strides = array<i32>} : memref<256xi32, #tpu.memory_space<vmem>>, vector<16xi32>,
      tpu.vector_store_idx %arg10[%get3A_123], %broadcast_in_dim3A_5 {add = true} : memref<5120xf32, #tpu.memory_space<vmem>>[vector<16xi32>], vector<16xf32>,
      %add3A_124 = arith.constant 1 : i32
      %add3A_125 = arith.addi %scan3A_60, %add3A_124 : i32
      %lt3A = arith.constant 20 : i32
      %lt3A_126 = arith.cmpi slt, %add3A_125, %lt3A : i32
      %convert_element_type3A = arith.extui %lt3A_126 : i1 to i32
      %cond3A = arith.constant 0 : i32
      %cond3A_127 = arith.cmpi ne, %convert_element_type3A, %cond3A : i32
      scf.if %cond3A_127 {
        %add3A_176 = arith.constant 2 : i32
        %add3A_177 = arith.addi %mul3A_62, %add3A_176 : i32
        %add3A_178 = arith.addi %mul3A_4, %add3A_177 : i32
        %dma_start3A_179 = arith.constant 0 : i32
        %dma_start3A_180 = tpu.memref_slice %arg3[%add3A_178, %dma_start3A_179] : memref<1280x512xi32, #tpu.memory_space<hbm>> -> memref<1x256xi32, #tpu.memory_space<hbm>>
        %dma_start3A_181 = tpu.memref_squeeze %dma_start3A_180 : memref<1x256xi32, #tpu.memory_space<hbm>> -> memref<256xi32, #tpu.memory_space<hbm>>
        %dma_start3A_182 = arith.constant 0 : i32
        %dma_start3A_183 = tpu.memref_slice %arg3[%add3A_178, %dma_start3A_182] : memref<1280x512xi32, #tpu.memory_space<hbm>> -> memref<1x256xi32, #tpu.memory_space<hbm>>
        %dma_start3A_184 = tpu.memref_squeeze %dma_start3A_183 : memref<1x256xi32, #tpu.memory_space<hbm>> -> memref<256xi32, #tpu.memory_space<hbm>>
        tpu.enqueue_dma source(%dma_start3A_184 : memref<256xi32, #tpu.memory_space<hbm>>) target(%arg11 : memref<256xi32, #tpu.memory_space<vmem>>) target_semaphore(%arg18 : memref<!tpu.dma_semaphore, #tpu.memory_space<semaphore_mem>>)
        %dma_start3A_185 = arith.constant 256 : i32
        %dma_start3A_186 = tpu.memref_slice %arg3[%add3A_178, %dma_start3A_185] : memref<1280x512xi32, #tpu.memory_space<hbm>> -> memref<1x256xi32, #tpu.memory_space<hbm>>
        %dma_start3A_187 = tpu.memref_squeeze %dma_start3A_186 : memref<1x256xi32, #tpu.memory_space<hbm>> -> memref<256xi32, #tpu.memory_space<hbm>>
        %dma_start3A_188 = arith.constant 256 : i32
        %dma_start3A_189 = tpu.memref_slice %arg3[%add3A_178, %dma_start3A_188] : memref<1280x512xi32, #tpu.memory_space<hbm>> -> memref<1x256xi32, #tpu.memory_space<hbm>>
        %dma_start3A_190 = tpu.memref_squeeze %dma_start3A_189 : memref<1x256xi32, #tpu.memory_space<hbm>> -> memref<256xi32, #tpu.memory_space<hbm>>
        tpu.enqueue_dma source(%dma_start3A_190 : memref<256xi32, #tpu.memory_space<hbm>>) target(%arg13 : memref<256xi32, #tpu.memory_space<vmem>>) target_semaphore(%arg18 : memref<!tpu.dma_semaphore, #tpu.memory_space<semaphore_mem>>)
      } else {
      }
      %dma_wait3A_128 = arith.constant 1 : i32
      %dma_wait3A_129 = arith.constant 0 : i32
      %dma_wait3A_130 = arith.constant 0 : i32
      %dma_wait3A_131 = tpu.memref_slice %arg15[%dma_wait3A_128, %dma_wait3A_129, %dma_wait3A_130] : memref<2x256x128xf32, #tpu.memory_space<vmem>> -> memref<1x256x128xf32, #tpu.memory_space<vmem>>
      %dma_wait3A_132 = tpu.memref_squeeze %dma_wait3A_131 : memref<1x256x128xf32, #tpu.memory_space<vmem>> -> memref<256x128xf32, #tpu.memory_space<vmem>>
      %dma_wait3A_133 = arith.constant 0 : i32
      %dma_wait3A_134 = arith.constant 0 : i32
      %dma_wait3A_135 = tpu.memref_slice %arg2[%dma_wait3A_133, %dma_wait3A_134] : memref<10000x128xf32, #tpu.memory_space<hbm>> -> memref<10000x128xf32, #tpu.memory_space<hbm>>
      tpu.wait_indirect_dma semaphore(%arg17 : memref<!tpu.dma_semaphore, #tpu.memory_space<semaphore_mem>>) src(%dma_wait3A_135 : memref<10000x128xf32, #tpu.memory_space<hbm>>) dst(%dma_wait3A_132 : memref<256x128xf32, #tpu.memory_space<vmem>>)
      %run_scoped3A_136 = arith.constant 1 : i32
      "tpu.region"() ({
        %run_scoped3A_176 = tpu.sem_alloc : memref<!tpu.dma_semaphore, #tpu.memory_space<semaphore_mem>>
        %dma_start3A_177 = arith.constant 0 : i32
        %dma_start3A_178 = arith.constant 0 : i32
        %dma_start3A_179 = tpu.memref_slice %arg15[%run_scoped3A_136, %dma_start3A_177, %dma_start3A_178] : memref<2x256x128xf32, #tpu.memory_space<vmem>> -> memref<1x256x128xf32, #tpu.memory_space<vmem>>
        %dma_start3A_180 = tpu.memref_squeeze %dma_start3A_179 : memref<1x256x128xf32, #tpu.memory_space<vmem>> -> memref<256x128xf32, #tpu.memory_space<vmem>>
        %dma_start3A_181 = arith.constant 0 : i32
        %dma_start3A_182 = arith.constant 0 : i32
        %dma_start3A_183 = tpu.memref_slice %arg8[%dma_start3A_181, %dma_start3A_182] : memref<5120x128xf32, #tpu.memory_space<vmem_shared>> -> memref<5120x128xf32, #tpu.memory_space<vmem_shared>>
        tpu.enqueue_indirect_dma source(%dma_start3A_180 : memref<256x128xf32, #tpu.memory_space<vmem>>) target(%dma_start3A_183 : memref<5120x128xf32, #tpu.memory_space<vmem_shared>>) offsets(%arg14 : memref<256xi32, #tpu.memory_space<vmem>>) semaphore(%run_scoped3A_176 : memref<!tpu.dma_semaphore, #tpu.memory_space<semaphore_mem>>) {add = true}
        %dma_wait3A_184 = arith.constant 0 : i32
        %dma_wait3A_185 = arith.constant 0 : i32
        %dma_wait3A_186 = tpu.memref_slice %arg15[%run_scoped3A_136, %dma_wait3A_184, %dma_wait3A_185] : memref<2x256x128xf32, #tpu.memory_space<vmem>> -> memref<1x256x128xf32, #tpu.memory_space<vmem>>
        %dma_wait3A_187 = tpu.memref_squeeze %dma_wait3A_186 : memref<1x256x128xf32, #tpu.memory_space<vmem>> -> memref<256x128xf32, #tpu.memory_space<vmem>>
        %dma_wait3A_188 = arith.constant 0 : i32
        %dma_wait3A_189 = arith.constant 0 : i32
        %dma_wait3A_190 = tpu.memref_slice %arg8[%dma_wait3A_188, %dma_wait3A_189] : memref<5120x128xf32, #tpu.memory_space<vmem_shared>> -> memref<5120x128xf32, #tpu.memory_space<vmem_shared>>
        tpu.wait_indirect_dma semaphore(%run_scoped3A_176 : memref<!tpu.dma_semaphore, #tpu.memory_space<semaphore_mem>>) src(%dma_wait3A_187 : memref<256x128xf32, #tpu.memory_space<vmem>>) dst(%dma_wait3A_190 : memref<5120x128xf32, #tpu.memory_space<vmem_shared>>)
        tpu.yield
      }) : () -> ()
      %get3A_137 = arith.constant 0 : index
      %get3A_138 = tpu.vector_load %arg14[%get3A_137] {strides = array<i32>} : memref<256xi32, #tpu.memory_space<vmem>>, vector<16xi32>,
      tpu.vector_store_idx %arg10[%get3A_138], %broadcast_in_dim3A_5 {add = true} : memref<5120xf32, #tpu.memory_space<vmem>>[vector<16xi32>], vector<16xf32>,
      %get3A_139 = arith.constant 16 : index
      %get3A_140 = tpu.vector_load %arg14[%get3A_139] {strides = array<i32>} : memref<256xi32, #tpu.memory_space<vmem>>, vector<16xi32>,
      tpu.vector_store_idx %arg10[%get3A_140], %broadcast_in_dim3A_5 {add = true} : memref<5120xf32, #tpu.memory_space<vmem>>[vector<16xi32>], vector<16xf32>,
      %get3A_141 = arith.constant 32 : index
      %get3A_142 = tpu.vector_load %arg14[%get3A_141] {strides = array<i32>} : memref<256xi32, #tpu.memory_space<vmem>>, vector<16xi32>,
      tpu.vector_store_idx %arg10[%get3A_142], %broadcast_in_dim3A_5 {add = true} : memref<5120xf32, #tpu.memory_space<vmem>>[vector<16xi32>], vector<16xf32>,
      %get3A_143 = arith.constant 48 : index
      %get3A_144 = tpu.vector_load %arg14[%get3A_143] {strides = array<i32>} : memref<256xi32, #tpu.memory_space<vmem>>, vector<16xi32>,
      tpu.vector_store_idx %arg10[%get3A_144], %broadcast_in_dim3A_5 {add = true} : memref<5120xf32, #tpu.memory_space<vmem>>[vector<16xi32>], vector<16xf32>,
      %get3A_145 = arith.constant 64 : index
      %get3A_146 = tpu.vector_load %arg14[%get3A_145] {strides = array<i32>} : memref<256xi32, #tpu.memory_space<vmem>>, vector<16xi32>,
      tpu.vector_store_idx %arg10[%get3A_146], %broadcast_in_dim3A_5 {add = true} : memref<5120xf32, #tpu.memory_space<vmem>>[vector<16xi32>], vector<16xf32>,
      %get3A_147 = arith.constant 80 : index
      %get3A_148 = tpu.vector_load %arg14[%get3A_147] {strides = array<i32>} : memref<256xi32, #tpu.memory_space<vmem>>, vector<16xi32>,
      tpu.vector_store_idx %arg10[%get3A_148], %broadcast_in_dim3A_5 {add = true} : memref<5120xf32, #tpu.memory_space<vmem>>[vector<16xi32>], vector<16xf32>,
      %get3A_149 = arith.constant 96 : index
      %get3A_150 = tpu.vector_load %arg14[%get3A_149] {strides = array<i32>} : memref<256xi32, #tpu.memory_space<vmem>>, vector<16xi32>,
      tpu.vector_store_idx %arg10[%get3A_150], %broadcast_in_dim3A_5 {add = true} : memref<5120xf32, #tpu.memory_space<vmem>>[vector<16xi32>], vector<16xf32>,
      %get3A_151 = arith.constant 112 : index
      %get3A_152 = tpu.vector_load %arg14[%get3A_151] {strides = array<i32>} : memref<256xi32, #tpu.memory_space<vmem>>, vector<16xi32>,
      tpu.vector_store_idx %arg10[%get3A_152], %broadcast_in_dim3A_5 {add = true} : memref<5120xf32, #tpu.memory_space<vmem>>[vector<16xi32>], vector<16xf32>,
      %get3A_153 = arith.constant 128 : index
      %get3A_154 = tpu.vector_load %arg14[%get3A_153] {strides = array<i32>} : memref<256xi32, #tpu.memory_space<vmem>>, vector<16xi32>,
      tpu.vector_store_idx %arg10[%get3A_154], %broadcast_in_dim3A_5 {add = true} : memref<5120xf32, #tpu.memory_space<vmem>>[vector<16xi32>], vector<16xf32>,
      %get3A_155 = arith.constant 144 : index
      %get3A_156 = tpu.vector_load %arg14[%get3A_155] {strides = array<i32>} : memref<256xi32, #tpu.memory_space<vmem>>, vector<16xi32>,
      tpu.vector_store_idx %arg10[%get3A_156], %broadcast_in_dim3A_5 {add = true} : memref<5120xf32, #tpu.memory_space<vmem>>[vector<16xi32>], vector<16xf32>,
      %get3A_157 = arith.constant 160 : index
      %get3A_158 = tpu.vector_load %arg14[%get3A_157] {strides = array<i32>} : memref<256xi32, #tpu.memory_space<vmem>>, vector<16xi32>,
      tpu.vector_store_idx %arg10[%get3A_158], %broadcast_in_dim3A_5 {add = true} : memref<5120xf32, #tpu.memory_space<vmem>>[vector<16xi32>], vector<16xf32>,
      %get3A_159 = arith.constant 176 : index
      %get3A_160 = tpu.vector_load %arg14[%get3A_159] {strides = array<i32>} : memref<256xi32, #tpu.memory_space<vmem>>, vector<16xi32>,
      tpu.vector_store_idx %arg10[%get3A_160], %broadcast_in_dim3A_5 {add = true} : memref<5120xf32, #tpu.memory_space<vmem>>[vector<16xi32>], vector<16xf32>,
      %get3A_161 = arith.constant 192 : index
      %get3A_162 = tpu.vector_load %arg14[%get3A_161] {strides = array<i32>} : memref<256xi32, #tpu.memory_space<vmem>>, vector<16xi32>,
      tpu.vector_store_idx %arg10[%get3A_162], %broadcast_in_dim3A_5 {add = true} : memref<5120xf32, #tpu.memory_space<vmem>>[vector<16xi32>], vector<16xf32>,
      %get3A_163 = arith.constant 208 : index
      %get3A_164 = tpu.vector_load %arg14[%get3A_163] {strides = array<i32>} : memref<256xi32, #tpu.memory_space<vmem>>, vector<16xi32>,
      tpu.vector_store_idx %arg10[%get3A_164], %broadcast_in_dim3A_5 {add = true} : memref<5120xf32, #tpu.memory_space<vmem>>[vector<16xi32>], vector<16xf32>,
      %get3A_165 = arith.constant 224 : index
      %get3A_166 = tpu.vector_load %arg14[%get3A_165] {strides = array<i32>} : memref<256xi32, #tpu.memory_space<vmem>>, vector<16xi32>,
      tpu.vector_store_idx %arg10[%get3A_166], %broadcast_in_dim3A_5 {add = true} : memref<5120xf32, #tpu.memory_space<vmem>>[vector<16xi32>], vector<16xf32>,
      %get3A_167 = arith.constant 240 : index
      %get3A_168 = tpu.vector_load %arg14[%get3A_167] {strides = array<i32>} : memref<256xi32, #tpu.memory_space<vmem>>, vector<16xi32>,
      tpu.vector_store_idx %arg10[%get3A_168], %broadcast_in_dim3A_5 {add = true} : memref<5120xf32, #tpu.memory_space<vmem>>[vector<16xi32>], vector<16xf32>,
      %add3A_169 = arith.constant 1 : i32
      %add3A_170 = arith.addi %scan3A_60, %add3A_169 : i32
      %lt3A_171 = arith.constant 20 : i32
      %lt3A_172 = arith.cmpi slt, %add3A_170, %lt3A_171 : i32
      %convert_element_type3A_173 = arith.extui %lt3A_172 : i1 to i32
      %cond3A_174 = arith.constant 0 : i32
      %cond3A_175 = arith.cmpi ne, %convert_element_type3A_173, %cond3A_174 : i32
      scf.if %cond3A_175 {
        %add3A_176 = arith.constant 3 : i32
        %add3A_177 = arith.addi %mul3A_62, %add3A_176 : i32
        %add3A_178 = arith.addi %mul3A_4, %add3A_177 : i32
        %dma_start3A_179 = arith.constant 0 : i32
        %dma_start3A_180 = tpu.memref_slice %arg3[%add3A_178, %dma_start3A_179] : memref<1280x512xi32, #tpu.memory_space<hbm>> -> memref<1x256xi32, #tpu.memory_space<hbm>>
        %dma_start3A_181 = tpu.memref_squeeze %dma_start3A_180 : memref<1x256xi32, #tpu.memory_space<hbm>> -> memref<256xi32, #tpu.memory_space<hbm>>
        %dma_start3A_182 = arith.constant 0 : i32
        %dma_start3A_183 = tpu.memref_slice %arg3[%add3A_178, %dma_start3A_182] : memref<1280x512xi32, #tpu.memory_space<hbm>> -> memref<1x256xi32, #tpu.memory_space<hbm>>
        %dma_start3A_184 = tpu.memref_squeeze %dma_start3A_183 : memref<1x256xi32, #tpu.memory_space<hbm>> -> memref<256xi32, #tpu.memory_space<hbm>>
        tpu.enqueue_dma source(%dma_start3A_184 : memref<256xi32, #tpu.memory_space<hbm>>) target(%arg12 : memref<256xi32, #tpu.memory_space<vmem>>) target_semaphore(%arg19 : memref<!tpu.dma_semaphore, #tpu.memory_space<semaphore_mem>>)
        %dma_start3A_185 = arith.constant 256 : i32
        %dma_start3A_186 = tpu.memref_slice %arg3[%add3A_178, %dma_start3A_185] : memref<1280x512xi32, #tpu.memory_space<hbm>> -> memref<1x256xi32, #tpu.memory_space<hbm>>
        %dma_start3A_187 = tpu.memref_squeeze %dma_start3A_186 : memref<1x256xi32, #tpu.memory_space<hbm>> -> memref<256xi32, #tpu.memory_space<hbm>>
        %dma_start3A_188 = arith.constant 256 : i32
        %dma_start3A_189 = tpu.memref_slice %arg3[%add3A_178, %dma_start3A_188] : memref<1280x512xi32, #tpu.memory_space<hbm>> -> memref<1x256xi32, #tpu.memory_space<hbm>>
        %dma_start3A_190 = tpu.memref_squeeze %dma_start3A_189 : memref<1x256xi32, #tpu.memory_space<hbm>> -> memref<256xi32, #tpu.memory_space<hbm>>
        tpu.enqueue_dma source(%dma_start3A_190 : memref<256xi32, #tpu.memory_space<hbm>>) target(%arg14 : memref<256xi32, #tpu.memory_space<vmem>>) target_semaphore(%arg19 : memref<!tpu.dma_semaphore, #tpu.memory_space<semaphore_mem>>)
        %dma_wait3A_191 = arith.constant 0 : i32
        %dma_wait3A_192 = arith.constant 0 : i32
        %dma_wait3A_193 = tpu.memref_slice %arg3[%dma_wait3A_191, %dma_wait3A_192] : memref<1280x512xi32, #tpu.memory_space<hbm>> -> memref<1x256xi32, #tpu.memory_space<hbm>>
        %dma_wait3A_194 = tpu.memref_squeeze %dma_wait3A_193 : memref<1x256xi32, #tpu.memory_space<hbm>> -> memref<256xi32, #tpu.memory_space<hbm>>
        %dma_wait3A_195 = arith.constant 0 : i32
        %dma_wait3A_196 = tpu.memref_slice %arg3[%dma_wait3A_191, %dma_wait3A_195] : memref<1280x512xi32, #tpu.memory_space<hbm>> -> memref<1x256xi32, #tpu.memory_space<hbm>>
        %dma_wait3A_197 = tpu.memref_squeeze %dma_wait3A_196 : memref<1x256xi32, #tpu.memory_space<hbm>> -> memref<256xi32, #tpu.memory_space<hbm>>
        tpu.wait_dma2 semaphore(%arg18 : memref<!tpu.dma_semaphore, #tpu.memory_space<semaphore_mem>>) src(%dma_wait3A_197 : memref<256xi32, #tpu.memory_space<hbm>>) dst(%arg11 : memref<256xi32, #tpu.memory_space<vmem>>)
        %dma_wait3A_198 = arith.constant 0 : i32
        %dma_wait3A_199 = arith.constant 256 : i32
        %dma_wait3A_200 = tpu.memref_slice %arg3[%dma_wait3A_198, %dma_wait3A_199] : memref<1280x512xi32, #tpu.memory_space<hbm>> -> memref<1x256xi32, #tpu.memory_space<hbm>>
        %dma_wait3A_201 = tpu.memref_squeeze %dma_wait3A_200 : memref<1x256xi32, #tpu.memory_space<hbm>> -> memref<256xi32, #tpu.memory_space<hbm>>
        %dma_wait3A_202 = arith.constant 256 : i32
        %dma_wait3A_203 = tpu.memref_slice %arg3[%dma_wait3A_198, %dma_wait3A_202] : memref<1280x512xi32, #tpu.memory_space<hbm>> -> memref<1x256xi32, #tpu.memory_space<hbm>>
        %dma_wait3A_204 = tpu.memref_squeeze %dma_wait3A_203 : memref<1x256xi32, #tpu.memory_space<hbm>> -> memref<256xi32, #tpu.memory_space<hbm>>
        tpu.wait_dma2 semaphore(%arg18 : memref<!tpu.dma_semaphore, #tpu.memory_space<semaphore_mem>>) src(%dma_wait3A_204 : memref<256xi32, #tpu.memory_space<hbm>>) dst(%arg13 : memref<256xi32, #tpu.memory_space<vmem>>)
        %dma_start3A_205 = arith.constant 0 : i32
        %dma_start3A_206 = arith.constant 0 : i32
        %dma_start3A_207 = arith.constant 0 : i32
        %dma_start3A_208 = tpu.memref_slice %arg15[%dma_start3A_205, %dma_start3A_206, %dma_start3A_207] : memref<2x256x128xf32, #tpu.memory_space<vmem>> -> memref<1x256x128xf32, #tpu.memory_space<vmem>>
        %dma_start3A_209 = tpu.memref_squeeze %dma_start3A_208 : memref<1x256x128xf32, #tpu.memory_space<vmem>> -> memref<256x128xf32, #tpu.memory_space<vmem>>
        %dma_start3A_210 = arith.constant 0 : i32
        %dma_start3A_211 = arith.constant 0 : i32
        %dma_start3A_212 = tpu.memref_slice %arg2[%dma_start3A_210, %dma_start3A_211] : memref<10000x128xf32, #tpu.memory_space<hbm>> -> memref<10000x128xf32, #tpu.memory_space<hbm>>
        tpu.enqueue_indirect_dma source(%dma_start3A_212 : memref<10000x128xf32, #tpu.memory_space<hbm>>) target(%dma_start3A_209 : memref<256x128xf32, #tpu.memory_space<vmem>>) offsets(%arg11 : memref<256xi32, #tpu.memory_space<vmem>>) semaphore(%arg16 : memref<!tpu.dma_semaphore, #tpu.memory_space<semaphore_mem>>)
      } else {
      }
    }
    %scan3A_58 = arith.constant 20 : i32
    %barrier3A_59 = arith.constant 0 : index
    tpu.barrier barrier_id(%barrier3A_59)
    "tpu.region"() ({
      %run_scoped3A = tpu.sem_alloc : memref<!tpu.dma_semaphore, #tpu.memory_space<semaphore_mem>>
      %dma_start3A_60 = arith.constant 0 : i32
      %dma_start3A_61 = tpu.memref_slice %arg6[%arg0, %mul3A_2, %dma_start3A_60] : memref<2x5120x128xf32, #tpu.memory_space<hbm>> -> memref<1x320x128xf32, #tpu.memory_space<hbm>>
      %dma_start3A_62 = tpu.memref_squeeze %dma_start3A_61 : memref<1x320x128xf32, #tpu.memory_space<hbm>> -> memref<320x128xf32, #tpu.memory_space<hbm>>
      %dma_start3A_63 = arith.constant 0 : i32
      %dma_start3A_64 = tpu.memref_slice %arg8[%mul3A_2, %dma_start3A_63] : memref<5120x128xf32, #tpu.memory_space<vmem_shared>> -> memref<320x128xf32, #tpu.memory_space<vmem_shared>>
      tpu.enqueue_dma source(%dma_start3A_64 : memref<320x128xf32, #tpu.memory_space<vmem_shared>>) target(%dma_start3A_62 : memref<320x128xf32, #tpu.memory_space<hbm>>) target_semaphore(%run_scoped3A : memref<!tpu.dma_semaphore, #tpu.memory_space<semaphore_mem>>)
      %dma_wait3A_65 = arith.constant 0 : i32
      %dma_wait3A_66 = tpu.memref_slice %arg6[%arg0, %mul3A_2, %dma_wait3A_65] : memref<2x5120x128xf32, #tpu.memory_space<hbm>> -> memref<1x320x128xf32, #tpu.memory_space<hbm>>
      %dma_wait3A_67 = tpu.memref_squeeze %dma_wait3A_66 : memref<1x320x128xf32, #tpu.memory_space<hbm>> -> memref<320x128xf32, #tpu.memory_space<hbm>>
      %dma_wait3A_68 = arith.constant 0 : i32
      %dma_wait3A_69 = tpu.memref_slice %arg8[%mul3A_2, %dma_wait3A_68] : memref<5120x128xf32, #tpu.memory_space<vmem_shared>> -> memref<320x128xf32, #tpu.memory_space<vmem_shared>>
      tpu.wait_dma2 semaphore(%run_scoped3A : memref<!tpu.dma_semaphore, #tpu.memory_space<semaphore_mem>>) src(%dma_wait3A_69 : memref<320x128xf32, #tpu.memory_space<vmem_shared>>) dst(%dma_wait3A_67 : memref<320x128xf32, #tpu.memory_space<hbm>>)
      tpu.yield
    }) : () -> ()
    "tpu.region"() ({
      %run_scoped3A = tpu.sem_alloc : memref<!tpu.dma_semaphore, #tpu.memory_space<semaphore_mem>>
      %dma_start3A_60 = arith.constant 0 : i32
      %dma_start3A_61 = tpu.memref_slice %arg7[%add3A, %dma_start3A_60] : memref<32x5120xf32, #tpu.memory_space<hbm>> -> memref<1x5120xf32, #tpu.memory_space<hbm>>
      %dma_start3A_62 = tpu.memref_squeeze %dma_start3A_61 : memref<1x5120xf32, #tpu.memory_space<hbm>> -> memref<5120xf32, #tpu.memory_space<hbm>>
      %dma_start3A_63 = arith.constant 0 : i32
      %dma_start3A_64 = tpu.memref_slice %arg7[%add3A, %dma_start3A_63] : memref<32x5120xf32, #tpu.memory_space<hbm>> -> memref<1x5120xf32, #tpu.memory_space<hbm>>
      %dma_start3A_65 = tpu.memref_squeeze %dma_start3A_64 : memref<1x5120xf32, #tpu.memory_space<hbm>> -> memref<5120xf32, #tpu.memory_space<hbm>>
      tpu.enqueue_dma source(%arg10 : memref<5120xf32, #tpu.memory_space<vmem>>) target(%dma_start3A_65 : memref<5120xf32, #tpu.memory_space<hbm>>) target_semaphore(%run_scoped3A : memref<!tpu.dma_semaphore, #tpu.memory_space<semaphore_mem>>)
      %dma_wait3A_66 = arith.constant 0 : i32
      %dma_wait3A_67 = tpu.memref_slice %arg7[%add3A, %dma_wait3A_66] : memref<32x5120xf32, #tpu.memory_space<hbm>> -> memref<1x5120xf32, #tpu.memory_space<hbm>>
      %dma_wait3A_68 = tpu.memref_squeeze %dma_wait3A_67 : memref<1x5120xf32, #tpu.memory_space<hbm>> -> memref<5120xf32, #tpu.memory_space<hbm>>
      %dma_wait3A_69 = arith.constant 0 : i32
      %dma_wait3A_70 = tpu.memref_slice %arg7[%add3A, %dma_wait3A_69] : memref<32x5120xf32, #tpu.memory_space<hbm>> -> memref<1x5120xf32, #tpu.memory_space<hbm>>
      %dma_wait3A_71 = tpu.memref_squeeze %dma_wait3A_70 : memref<1x5120xf32, #tpu.memory_space<hbm>> -> memref<5120xf32, #tpu.memory_space<hbm>>
      tpu.wait_dma2 semaphore(%run_scoped3A : memref<!tpu.dma_semaphore, #tpu.memory_space<semaphore_mem>>) src(%arg10 : memref<5120xf32, #tpu.memory_space<vmem>>) dst(%dma_wait3A_71 : memref<5120xf32, #tpu.memory_space<hbm>>)
      tpu.yield
    }) : () -> ()
    return
  }
}

module attributes {stable_mosaic.version = 14 : i64} {
  func.func @body(%arg0: i32, %arg1: memref<2x1000x128xf32, #tpu.memory_space<vmem>>, %arg2: memref<1000x32xf32, #tpu.memory_space<vmem>>, %arg3: memref<1000x128xf32, #tpu.memory_space<vmem>>, %arg4: memref<128x128xf32, #tpu.memory_space<vmem>>, %arg5: memref<128x128xf32, #tpu.memory_space<vmem>>, %arg6: memref<1x128xf32, #tpu.memory_space<vmem>>, %arg7: memref<1000x128xf32, #tpu.memory_space<vmem>>) attributes {dimension_semantics = [#tpu.dimension_semantics<arbitrary>], iteration_bounds = array<i64: 5>, scalar_prefetch = 0 : i64, scratch_operands = 0 : i64, tpu.core_type = #tpu.core_type<tc>, window_params = [{transform_indices = @transform_0, window_bounds = array<i64: 2, 1000, 128>}, {transform_indices = @transform_1, window_bounds = array<i64: 1000, 32>}, {transform_indices = @transform_2, window_bounds = array<i64: 1000, 128>}, {pipeline_mode = #tpu.pipeline_mode<synchronous>, transform_indices = @transform_3, window_bounds = array<i64: 128, 128>}, {pipeline_mode = #tpu.pipeline_mode<synchronous>, transform_indices = @transform_4, window_bounds = array<i64: 128, 128>}, {pipeline_mode = #tpu.pipeline_mode<synchronous>, transform_indices = @transform_5, window_bounds = array<i64: 1, 128>}, {transform_indices = @transform_6, window_bounds = array<i64: 1000, 128>}]} {
    %get3A = arith.constant 0 : index
    %get3A_0 = arith.constant 0 : index
    %get3A_1 = arith.constant 0 : index
    %get3A_2 = vector.load %arg1[%get3A, %get3A_0, %get3A_1] : memref<2x1000x128xf32, #tpu.memory_space<vmem>>, vector<1x1000x128xf32>
    %get3A_3 = vector.shape_cast %get3A_2 : vector<1x1000x128xf32> to vector<1000x128xf32>
    %get3A_4 = arith.constant 1 : index
    %get3A_5 = arith.constant 0 : index
    %get3A_6 = arith.constant 0 : index
    %get3A_7 = vector.load %arg1[%get3A_4, %get3A_5, %get3A_6] : memref<2x1000x128xf32, #tpu.memory_space<vmem>>, vector<1x1000x128xf32>
    %get3A_8 = vector.shape_cast %get3A_7 : vector<1x1000x128xf32> to vector<1000x128xf32>
    %add3A = arith.addf %get3A_3, %get3A_8 : vector<1000x128xf32>
    %get3A_9 = arith.constant 0 : index
    %get3A_10 = arith.constant 0 : index
    %get3A_11 = vector.load %arg2[%get3A_9, %get3A_10] : memref<1000x32xf32, #tpu.memory_space<vmem>>, vector<1000x32xf32>
    %reduce_sum3A = arith.constant dense<0.000000e+00> : vector<1000xf32>
    %reduce_sum3A_12 = vector.multi_reduction <add>, %get3A_11, %reduce_sum3A [1] : vector<1000x32xf32> to vector<1000xf32>
    %broadcast_in_dim3A = vector.shape_cast %reduce_sum3A_12 : vector<1000xf32> to vector<1000x1xf32>
    %max3A = arith.constant 1.000000e+00 : f32
    %max3A_13 = vector.broadcast %max3A : f32 to vector<1000x1xf32>
    %max3A_14 = arith.maximumf %broadcast_in_dim3A, %max3A_13 : vector<1000x1xf32>
    %div3A = vector.broadcast %max3A_14 : vector<1000x1xf32> to vector<1000x128xf32>
    %div3A_15 = arith.divf %add3A, %div3A : vector<1000x128xf32>
    %get3A_16 = arith.constant 0 : index
    %get3A_17 = arith.constant 0 : index
    %get3A_18 = vector.load %arg4[%get3A_16, %get3A_17] : memref<128x128xf32, #tpu.memory_space<vmem>>, vector<128x128xf32>
    %dot_general3A = arith.constant dense<0.000000e+00> : vector<1000x128xf32>
    %dot_general3A_19 = tpu.matmul %div3A_15, %get3A_18, %dot_general3A {dimension_numbers = #tpu.dot_dimension_numbers<[1], [0], [0], [1], [0, 0, 1, 1], [], []>, transpose_lhs_hint = false} : vector<1000x128xf32>, vector<128x128xf32>, vector<1000x128xf32> -> vector<1000x128xf32>
    %get3A_20 = arith.constant 0 : index
    %get3A_21 = arith.constant 0 : index
    %get3A_22 = vector.load %arg3[%get3A_20, %get3A_21] : memref<1000x128xf32, #tpu.memory_space<vmem>>, vector<1000x128xf32>
    %get3A_23 = arith.constant 0 : index
    %get3A_24 = arith.constant 0 : index
    %get3A_25 = vector.load %arg5[%get3A_23, %get3A_24] : memref<128x128xf32, #tpu.memory_space<vmem>>, vector<128x128xf32>
    %dot_general3A_26 = arith.constant dense<0.000000e+00> : vector<1000x128xf32>
    %dot_general3A_27 = tpu.matmul %get3A_22, %get3A_25, %dot_general3A_26 {dimension_numbers = #tpu.dot_dimension_numbers<[1], [0], [0], [1], [0, 0, 1, 1], [], []>, transpose_lhs_hint = false} : vector<1000x128xf32>, vector<128x128xf32>, vector<1000x128xf32> -> vector<1000x128xf32>
    %add3A_28 = arith.addf %dot_general3A_19, %dot_general3A_27 : vector<1000x128xf32>
    %get3A_29 = arith.constant 0 : index
    %get3A_30 = arith.constant 0 : index
    %get3A_31 = vector.load %arg6[%get3A_29, %get3A_30] : memref<1x128xf32, #tpu.memory_space<vmem>>, vector<1x128xf32>
    %add3A_32 = vector.broadcast %get3A_31 : vector<1x128xf32> to vector<1000x128xf32>
    %add3A_33 = arith.addf %add3A_28, %add3A_32 : vector<1000x128xf32>
    %max3A_34 = arith.constant 0.000000e+00 : f32
    %max3A_35 = vector.broadcast %max3A_34 : f32 to vector<1000x128xf32>
    %max3A_36 = arith.maximumf %add3A_33, %max3A_35 : vector<1000x128xf32>
    %swap3A = arith.constant 0 : index
    %swap3A_37 = arith.constant 0 : index
    %swap3A_38 = vector.load %arg7[%swap3A, %swap3A_37] : memref<1000x128xf32, #tpu.memory_space<vmem>>, vector<1000x128xf32>
    tpu.vector_store %arg7[%swap3A, %swap3A_37], %max3A_36 {strides = array<i32>} : memref<1000x128xf32, #tpu.memory_space<vmem>>, vector<1000x128xf32>,
    return
  }
  func.func @transform_0(%arg0: i32) -> (i32, i32, i32) {
    %c0_i32 = arith.constant 0 : i32
    %c0_i32_0 = arith.constant 0 : i32
    %c0_i32_1 = arith.constant 0 : i32
    return %c0_i32, %arg0, %c0_i32_0 : i32, i32, i32
  }
  func.func @transform_1(%arg0: i32) -> (i32, i32) {
    %c0_i32 = arith.constant 0 : i32
    %c0_i32_0 = arith.constant 0 : i32
    return %arg0, %c0_i32 : i32, i32
  }
  func.func @transform_2(%arg0: i32) -> (i32, i32) {
    %c0_i32 = arith.constant 0 : i32
    %c0_i32_0 = arith.constant 0 : i32
    return %arg0, %c0_i32 : i32, i32
  }
  func.func @transform_3(%arg0: i32) -> (i32, i32) {
    %c0_i32 = arith.constant 0 : i32
    %c0_i32_0 = arith.constant 0 : i32
    %c0_i32_1 = arith.constant 0 : i32
    return %c0_i32, %c0_i32_0 : i32, i32
  }
  func.func @transform_4(%arg0: i32) -> (i32, i32) {
    %c0_i32 = arith.constant 0 : i32
    %c0_i32_0 = arith.constant 0 : i32
    %c0_i32_1 = arith.constant 0 : i32
    return %c0_i32, %c0_i32_0 : i32, i32
  }
  func.func @transform_5(%arg0: i32) -> (i32, i32) {
    %c0_i32 = arith.constant 0 : i32
    %c0_i32_0 = arith.constant 0 : i32
    %c0_i32_1 = arith.constant 0 : i32
    return %c0_i32, %c0_i32_0 : i32, i32
  }
  func.func @transform_6(%arg0: i32) -> (i32, i32) {
    %c0_i32 = arith.constant 0 : i32
    %c0_i32_0 = arith.constant 0 : i32
    return %arg0, %c0_i32 : i32, i32
  }
}

module attributes {stable_mosaic.version = 14 : i64} {
  func.func @body(%arg0: i32, %arg1: memref<2x1024x128xf32, #tpu.memory_space<vmem>>, %arg2: memref<1024x32xf32, #tpu.memory_space<vmem>>, %arg3: memref<1024x128xf32, #tpu.memory_space<vmem>>, %arg4: memref<128x128xf32, #tpu.memory_space<vmem>>, %arg5: memref<128x128xf32, #tpu.memory_space<vmem>>, %arg6: memref<1x128xf32, #tpu.memory_space<vmem>>, %arg7: memref<1024x128xf32, #tpu.memory_space<vmem>>) attributes {dimension_semantics = [#tpu.dimension_semantics<arbitrary>], iteration_bounds = array<i64: 1>, scalar_prefetch = 0 : i64, scratch_operands = 0 : i64, tpu.core_type = #tpu.core_type<tc>, window_params = [{transform_indices = @transform_0, window_bounds = array<i64: 2, 1024, 128>}, {transform_indices = @transform_1, window_bounds = array<i64: 1024, 32>}, {transform_indices = @transform_2, window_bounds = array<i64: 1024, 128>}, {pipeline_mode = #tpu.pipeline_mode<synchronous>, transform_indices = @transform_3, window_bounds = array<i64: 128, 128>}, {pipeline_mode = #tpu.pipeline_mode<synchronous>, transform_indices = @transform_4, window_bounds = array<i64: 128, 128>}, {pipeline_mode = #tpu.pipeline_mode<synchronous>, transform_indices = @transform_5, window_bounds = array<i64: 1, 128>}, {pipeline_mode = #tpu.pipeline_mode<synchronous>, transform_indices = @transform_6, window_bounds = array<i64: 1024, 128>}]} {
    %get3A = arith.constant 0 : index
    %get3A_0 = arith.constant 0 : index
    %get3A_1 = arith.constant 0 : index
    %get3A_2 = vector.load %arg1[%get3A, %get3A_0, %get3A_1] : memref<2x1024x128xf32, #tpu.memory_space<vmem>>, vector<1x1024x128xf32>
    %get3A_3 = vector.shape_cast %get3A_2 : vector<1x1024x128xf32> to vector<1024x128xf32>
    %get3A_4 = arith.constant 1 : index
    %get3A_5 = arith.constant 0 : index
    %get3A_6 = arith.constant 0 : index
    %get3A_7 = vector.load %arg1[%get3A_4, %get3A_5, %get3A_6] : memref<2x1024x128xf32, #tpu.memory_space<vmem>>, vector<1x1024x128xf32>
    %get3A_8 = vector.shape_cast %get3A_7 : vector<1x1024x128xf32> to vector<1024x128xf32>
    %add3A = arith.addf %get3A_3, %get3A_8 : vector<1024x128xf32>
    %get3A_9 = arith.constant 0 : index
    %get3A_10 = arith.constant 0 : index
    %get3A_11 = vector.load %arg2[%get3A_9, %get3A_10] : memref<1024x32xf32, #tpu.memory_space<vmem>>, vector<1024x32xf32>
    %reduce_sum3A = arith.constant dense<0.000000e+00> : vector<1024xf32>
    %reduce_sum3A_12 = vector.multi_reduction <add>, %get3A_11, %reduce_sum3A [1] : vector<1024x32xf32> to vector<1024xf32>
    %broadcast_in_dim3A = vector.shape_cast %reduce_sum3A_12 : vector<1024xf32> to vector<1024x1xf32>
    %max3A = arith.constant 1.000000e+00 : f32
    %max3A_13 = vector.broadcast %max3A : f32 to vector<1024x1xf32>
    %max3A_14 = arith.maximumf %broadcast_in_dim3A, %max3A_13 : vector<1024x1xf32>
    %div3A = vector.broadcast %max3A_14 : vector<1024x1xf32> to vector<1024x128xf32>
    %div3A_15 = arith.divf %add3A, %div3A : vector<1024x128xf32>
    %get3A_16 = arith.constant 0 : index
    %get3A_17 = arith.constant 0 : index
    %get3A_18 = vector.load %arg4[%get3A_16, %get3A_17] : memref<128x128xf32, #tpu.memory_space<vmem>>, vector<128x128xf32>
    %dot_general3A = arith.constant dense<0.000000e+00> : vector<1024x128xf32>
    %dot_general3A_19 = tpu.matmul %div3A_15, %get3A_18, %dot_general3A {dimension_numbers = #tpu.dot_dimension_numbers<[1], [0], [0], [1], [0, 0, 1, 1], [], []>, transpose_lhs_hint = false} : vector<1024x128xf32>, vector<128x128xf32>, vector<1024x128xf32> -> vector<1024x128xf32>
    %get3A_20 = arith.constant 0 : index
    %get3A_21 = arith.constant 0 : index
    %get3A_22 = vector.load %arg3[%get3A_20, %get3A_21] : memref<1024x128xf32, #tpu.memory_space<vmem>>, vector<1024x128xf32>
    %get3A_23 = arith.constant 0 : index
    %get3A_24 = arith.constant 0 : index
    %get3A_25 = vector.load %arg5[%get3A_23, %get3A_24] : memref<128x128xf32, #tpu.memory_space<vmem>>, vector<128x128xf32>
    %dot_general3A_26 = arith.constant dense<0.000000e+00> : vector<1024x128xf32>
    %dot_general3A_27 = tpu.matmul %get3A_22, %get3A_25, %dot_general3A_26 {dimension_numbers = #tpu.dot_dimension_numbers<[1], [0], [0], [1], [0, 0, 1, 1], [], []>, transpose_lhs_hint = false} : vector<1024x128xf32>, vector<128x128xf32>, vector<1024x128xf32> -> vector<1024x128xf32>
    %add3A_28 = arith.addf %dot_general3A_19, %dot_general3A_27 : vector<1024x128xf32>
    %get3A_29 = arith.constant 0 : index
    %get3A_30 = arith.constant 0 : index
    %get3A_31 = vector.load %arg6[%get3A_29, %get3A_30] : memref<1x128xf32, #tpu.memory_space<vmem>>, vector<1x128xf32>
    %add3A_32 = vector.broadcast %get3A_31 : vector<1x128xf32> to vector<1024x128xf32>
    %add3A_33 = arith.addf %add3A_28, %add3A_32 : vector<1024x128xf32>
    %reduce_max3A = arith.constant dense<0xFF800000> : vector<1024xf32>
    %reduce_max3A_34 = vector.multi_reduction <maximumf>, %add3A_33, %reduce_max3A [1] : vector<1024x128xf32> to vector<1024xf32>
    %broadcast_in_dim3A_35 = vector.shape_cast %reduce_max3A_34 : vector<1024xf32> to vector<1024x1xf32>
    %sub3A = vector.broadcast %broadcast_in_dim3A_35 : vector<1024x1xf32> to vector<1024x128xf32>
    %sub3A_36 = arith.subf %add3A_33, %sub3A : vector<1024x128xf32>
    %exp3A = math.exp %sub3A_36 : vector<1024x128xf32>
    %sub3A_37 = vector.broadcast %broadcast_in_dim3A_35 : vector<1024x1xf32> to vector<1024x128xf32>
    %sub3A_38 = arith.subf %add3A_33, %sub3A_37 : vector<1024x128xf32>
    %reduce_sum3A_39 = arith.constant dense<0.000000e+00> : vector<1024xf32>
    %reduce_sum3A_40 = vector.multi_reduction <add>, %exp3A, %reduce_sum3A_39 [1] : vector<1024x128xf32> to vector<1024xf32>
    %broadcast_in_dim3A_41 = vector.shape_cast %reduce_sum3A_40 : vector<1024xf32> to vector<1024x1xf32>
    %log3A = math.log %broadcast_in_dim3A_41 : vector<1024x1xf32>
    %sub3A_42 = vector.broadcast %log3A : vector<1024x1xf32> to vector<1024x128xf32>
    %sub3A_43 = arith.subf %sub3A_38, %sub3A_42 : vector<1024x128xf32>
    %swap3A = arith.constant 0 : index
    %swap3A_44 = arith.constant 0 : index
    %swap3A_45 = vector.load %arg7[%swap3A, %swap3A_44] : memref<1024x128xf32, #tpu.memory_space<vmem>>, vector<1024x128xf32>
    tpu.vector_store %arg7[%swap3A, %swap3A_44], %sub3A_43 {strides = array<i32>} : memref<1024x128xf32, #tpu.memory_space<vmem>>, vector<1024x128xf32>,
    return
  }
  func.func @transform_0(%arg0: i32) -> (i32, i32, i32) {
    %c0_i32 = arith.constant 0 : i32
    %c0_i32_0 = arith.constant 0 : i32
    %c0_i32_1 = arith.constant 0 : i32
    %c0_i32_2 = arith.constant 0 : i32
    return %c0_i32, %c0_i32_0, %c0_i32_1 : i32, i32, i32
  }
  func.func @transform_1(%arg0: i32) -> (i32, i32) {
    %c0_i32 = arith.constant 0 : i32
    %c0_i32_0 = arith.constant 0 : i32
    %c0_i32_1 = arith.constant 0 : i32
    return %c0_i32, %c0_i32_0 : i32, i32
  }
  func.func @transform_2(%arg0: i32) -> (i32, i32) {
    %c0_i32 = arith.constant 0 : i32
    %c0_i32_0 = arith.constant 0 : i32
    %c0_i32_1 = arith.constant 0 : i32
    return %c0_i32, %c0_i32_0 : i32, i32
  }
  func.func @transform_3(%arg0: i32) -> (i32, i32) {
    %c0_i32 = arith.constant 0 : i32
    %c0_i32_0 = arith.constant 0 : i32
    %c0_i32_1 = arith.constant 0 : i32
    return %c0_i32, %c0_i32_0 : i32, i32
  }
  func.func @transform_4(%arg0: i32) -> (i32, i32) {
    %c0_i32 = arith.constant 0 : i32
    %c0_i32_0 = arith.constant 0 : i32
    %c0_i32_1 = arith.constant 0 : i32
    return %c0_i32, %c0_i32_0 : i32, i32
  }
  func.func @transform_5(%arg0: i32) -> (i32, i32) {
    %c0_i32 = arith.constant 0 : i32
    %c0_i32_0 = arith.constant 0 : i32
    %c0_i32_1 = arith.constant 0 : i32
    return %c0_i32, %c0_i32_0 : i32, i32
  }
  func.func @transform_6(%arg0: i32) -> (i32, i32) {
    %c0_i32 = arith.constant 0 : i32
    %c0_i32_0 = arith.constant 0 : i32
    %c0_i32_1 = arith.constant 0 : i32
    return %c0_i32, %c0_i32_0 : i32, i32
  }
}

</mosaic_0001>

<sc_bundles>
// kernel: kernel.6.cloned.1.call-start
scs
__scs_entry_jumppad:
0x0: {  	(pc) =	sbr.rel $0x88, $3  }
0x1: {  	(tag) =	ssettag $0x0;
	lr =	simm.s32 $0x1  }
0x2: {  	[smem:$0x3F98] =	sst lr;
	_ =	strace $0xD0000000  }
0x3: {  	_ = 	snop  }
0x4: {  	_ = 	snop  }
0x5: {  	_ = 	snop  }
0x6: {  	_ = 	snop  }
0x7: {  	_ = 	snop  }
__scs_overlays_trampoline_lowered:
0x8: {  	[smem:$0x3FA7] =	sst s0  }
0x9: {  	[smem:$0x3FA8] =	sst s1  }
0xa: {  	[smem:$0x3FA9] =	sst s2  }
0xb: {  	[smem:$0x3FAA] =	sst s3  }
0xc: {  	[smem:$0x3FAB] =	sst s4  }
0xd: {  	[smem:$0x3FAC] =	sst s5  }
0xe: {  	[smem:$0x3FAD] =	sst s6  }
0xf: {  	[smem:$0x3FAE] =	sst s7  }
0x10: {  	[smem:$0x3FAF] =	sst s8  }
0x11: {  	[smem:$0x3FB0] =	sst s9;
	s0 =	simm.s32 @!p0 $0x0  }
0x12: {  	s1 =	sld [smem:$0x3F96];
	s0 =	simm.s32 @p0 $0x1  }
0x13: {  	[smem:$0x3FB1] =	sst s0;
	s0 =	simm.s32 @!p1 $0x0  }
0x14: {  	s2 =	sld [smem:$0x3F95];
	s0 =	simm.s32 @p1 $0x1  }
0x15: {  	[smem:$0x3FB2] =	sst s0;
	s0 =	simm.s32 @!p2 $0x0  }
0x16: {  	s3 =	sld [smem:$0x3FDB];
	s0 =	simm.s32 @p2 $0x1  }
0x17: {  	s4 =	simm.s32 $0x1BF5;
	[smem:$0x3FB4] =	sst s0  }
0x18: {  	s0 =	sld [smem:$0x3F97];
	_ =	swait.ge [sflag:s4], $0x0  }
0x19: {  	s7 =	sld [smem:$0x3F98]  }
0x1a: {  	s8 =	sadd.s32 $0xFFFFE003, lr  }
0x1b: {  	s9 =	sadd.s32 $0xFFFFFEF7, lr;
	s5 =	simm.s32 $0xFFFFFFFF;
	p2 =	slt.u32 s8, $0xFFFFF086  }
0x1c: {  	p1 =	slt.u32 s9, $0xF7A;
	s5 =	simm.s32 @!p2 $0x0  }
0x1d: {  	s5 =	simm.s32 @p1 $0x1;
	p0 =	seq.s32 s7, s2  }
0x1e: {  	s7 =	smul.u32 @!p0 $0xF7A, s2;
	p2 =	seq.s32 @!p0 s5, $0x0  }
0x1f: {  	s9 =	smul.u32 $0xF7A, s1;
	s8 =	simm.s32 @!p0 $0x1BF5;
	p2 =	por !p2, p0  }
0x20: {  	[sflag:s8] =	ssyncset.s32 @!p0 $0xFFFFF086;
	s6 =	sadd.s32 @!p0 s3, s7;
	s7 =	simm.s32 @!p0 $0x108  }
0x21: {  	s3 =	sadd.s32 s3, s9;
	s6 =	sadd.s32 @!p0 $0x88, s6;
	s7 =	simm.s32 @p2 $0x1082  }
0x22: {  	[simem:s7], [sflag:s8] =	dma.local @!p0 [hbm:s6], $0xF7A  }
0x23: {  	s9 =	sor.u32 $0xD0000000, s2;
	s6 =	simm.s32 $0x108;
	_ =	swait.ge @!p0 [sflag:s8], $0x0  }
0x24: {  	s3 =	sadd.s32 $0x88, s3;
	s6 =	simm.s32 @!p1 $0x1082;
	[sflag:s4] =	ssyncset.s32 $0xFFFFF086  }
0x25: {  	[simem:s6], [sflag:s4] =	dma.local [hbm:s3], $0xF7A  }
0x26: {  	[smem:$0x3F98] =	sst s1;
	(tag) =	ssettag s2;
	_ =	strace s9  }
0x27: {  	s1 =	sld [smem:$0x3FA8]  }
0x28: {  	s2 =	sld [smem:$0x3FA9]  }
0x29: {  	s4 =	sld [smem:$0x3FAB]  }
0x2a: {  	p0 =	seq.s32 s5, $0x0;
	s5 =	sld [smem:$0x3FAC]  }
0x2b: {  	s6 =	sld [smem:$0x3FAD]  }
0x2c: {  	s7 =	sld [smem:$0x3FAE]  }
0x2d: {  	s3 =	simm.s32 $0x108;
	s8 =	sld [smem:$0x3FAF]  }
0x2e: {  	s3 =	simm.s32 @!p0 $0x1082;
	s9 =	sld [smem:$0x3FB0]  }
0x2f: {  	lr =	sadd.s32 s0, s3;
	s0 =	sld [smem:$0x3FA7]  }
0x30: {  	s3 =	sld [smem:$0x3FAA]  }
0x31: {  	[smem:$0x3FB3] =	sst s10  }
0x32: {  	s10 =	sld [smem:$0x3FB1];
	_ =	sdelay $0x3  }
0x33: {  	p0 =	seq.s32 s10, $0x1;
	s10 =	sld [smem:$0x3FB3];
	_ =	sdelay $0x3  }
0x34: {  	[smem:$0x3FB3] =	sst s10  }
0x35: {  	s10 =	sld [smem:$0x3FB2];
	_ =	sdelay $0x3  }
0x36: {  	p1 =	seq.s32 s10, $0x1;
	s10 =	sld [smem:$0x3FB3];
	_ =	sdelay $0x3  }
0x37: {  	[smem:$0x3FB3] =	sst s10  }
0x38: {  	s10 =	sld [smem:$0x3FB4]  }
0x39: {  	_ = 	snop;
	(pc) =	sbr.ind lr, $3  }
0x3a: {  	_ = 	snop  }
0x3b: {  	_ = 	snop  }
0x3c: {  	p2 =	seq.s32 s10, $0x1;
	s10 =	sld [smem:$0x3FB3]  }
0x3d: {  	_ =	shalt  }
0x3e: {  	_ =	shalt  }
0x3f: {  	_ =	shalt  }
0x40: {  	_ =	shalt  }
0x41: {  	_ =	shalt  }
0x42: {  	_ =	shalt  }
0x43: {  	_ =	shalt  }
0x44: {  	_ =	shalt  }
0x45: {  	_ =	shalt  }
0x46: {  	_ =	shalt  }
0x47: {  	_ =	shalt  }
0x48: {  	_ =	shalt  }
0x49: {  	_ =	shalt  }
0x4a: {  	_ =	shalt  }
0x4b: {  	_ =	shalt  }
0x4c: {  	_ =	shalt  }
0x4d: {  	_ =	shalt  }
0x4e: {  	_ =	shalt  }
0x4f: {  	_ =	shalt  }
0x50: {  	_ =	shalt  }
0x51: {  	_ =	shalt  }
0x52: {  	_ =	shalt  }
0x53: {  	_ =	shalt  }
0x54: {  	_ =	shalt  }
0x55: {  	_ =	shalt  }
0x56: {  	_ =	shalt  }
0x57: {  	_ =	shalt  }
0x58: {  	_ =	shalt  }
0x59: {  	_ =	shalt  }
0x5a: {  	_ =	shalt  }
0x5b: {  	_ =	shalt  }
0x5c: {  	_ =	shalt  }
0x5d: {  	_ =	shalt  }
0x5e: {  	_ =	shalt  }
0x5f: {  	_ =	shalt  }
0x60: {  	_ =	shalt  }
0x61: {  	_ =	shalt  }
0x62: {  	_ =	shalt  }
0x63: {  	_ =	shalt  }
0x64: {  	_ =	shalt  }
0x65: {  	_ =	shalt  }
0x66: {  	_ =	shalt  }
0x67: {  	_ =	shalt  }
0x68: {  	_ =	shalt  }
0x69: {  	_ =	shalt  }
0x6a: {  	_ =	shalt  }
0x6b: {  	_ =	shalt  }
0x6c: {  	_ =	shalt  }
0x6d: {  	_ =	shalt  }
0x6e: {  	_ =	shalt  }
0x6f: {  	_ =	shalt  }
0x70: {  	_ =	shalt  }
0x71: {  	_ =	shalt  }
0x72: {  	_ =	shalt  }
0x73: {  	_ =	shalt  }
0x74: {  	_ =	shalt  }
0x75: {  	_ =	shalt  }
0x76: {  	_ =	shalt  }
0x77: {  	_ =	shalt  }
0x78: {  	_ =	shalt  }
0x79: {  	_ =	shalt  }
0x7a: {  	_ =	shalt  }
0x7b: {  	_ =	shalt  }
0x7c: {  	_ =	shalt  }
0x7d: {  	_ =	shalt  }
0x7e: {  	_ =	shalt  }
0x7f: {  	_ =	shalt  }
0x80: {  	_ =	shalt  }
0x81: {  	_ =	shalt  }
0x82: {  	_ =	shalt  }
0x83: {  	_ =	shalt  }
0x84: {  	_ =	shalt  }
0x85: {  	_ =	shalt  }
0x86: {  	_ =	shalt  }
0x87: {  	_ =	shalt  }
.Lfunc_end0:
.L_simem_size_0:
called_computation_lowered:
.L_overlay_start_0:
0x88: {  	s2 =	sld [smem:$0x3FD9]  }
0x89: {  	s3 =	sld [smem:$0x3FFE];
	_ =	sdelay $0x1  }
0x8a: {  	s1 =	srdreg.scid  }
0x8b: {  	s0 =	sand.u32 $0x1, s1  }
0x8c: {  	s17 =	sshll.u32 s0, $0xA;
	s2 =	sadd.s32 s3, s2  }
0x8d: {  	s2 =	sadd.s32 s2, s17  }
0x8e: {  	[smem:$0x3FBF] =	sst s2  }
0x8f: {  	_ = 	snop  }
0x90: {  	s2 =	sld [smem:$0x3FC9]  }
0x91: {  	s18 =	sld [smem:$0x3FD0];
	(tm) =	ssettm $0x1  }
0x92: {  	s4 =	sld [smem:$0x3FFB];
	_ =	sdelay $0x3  }
0x93: {  	_ =	strace s4  }
0x94: {  	s4 =	sld [smem:$0x3FFC];
	_ =	sdelay $0x3  }
0x95: {  	_ =	strace s4  }
0x96: {  	s4 =	sld [smem:$0x3FFD];
	_ =	sdelay $0x3  }
0x97: {  	_ =	strace s4  }
0x98: {  	_ =	strace $0x8FFFFFFF  }
0x99: {  	s19 =	sld [smem:$0x3FDB];
	_ =	sdelay $0x1  }
0x9a: {  	s5 =	simm.s32 $_scs_section_size  }
0x9b: {  	s6 =	simm.s32 $_size__tile_overlayer_lowered;
	s7 =	simm.s32 $_tile_overlayer_lowered  }
0x9c: {  	s22 =	simm.s32 $0x1BFF;
	s21 =	sshll.u32 s7, $0x1;
	s4 =	sadd.s32 s5, s19  }
0x9d: {  	s8 =	simm.s32 $0x0;
	s20 =	sshll.u32 s6, $0x1;
	s6 =	sadd.s32 s21, s4  }
0x9e: {  	[timem:s8], [sflag:s22] =	dma.local [hbm:s6], s20  }
0x9f: {  	_ =	swait.ge [sflag:s22], s20  }
0xa0: {  	s5 =	ssub.s32 $0x0, s20;
	[sflag:s22] =	ssyncset.done $0x0  }
0xa1: {  	[sflag:s22] =	ssyncadd.s32 s5;
	_ =	sdelay $0x1  }
0xa2: {  	s23 =	simm.s32 $0x1B8B  }
0xa3: {  	_ =	swait.ge [sflag:s23], $0x1  }
0xa4: {  	[sflag:s23] =	ssyncset.done $0x0  }
0xa5: {  	s25 =	simm.s32 $0x1B8E;
	s24 =	sld [smem:$0x3FFE];
	[sflag:s23] =	ssyncadd.s32 $0xFFFFFFFF  }
0xa6: {  	s26 =	simm.s32 $execute0_lowered;
	[smem:$0x3FD2] =	sst s25  }
0xa7: {  	s6 =	sshll.u32 s26, $0x1;
	_ =	strace $0x80000046;
	[dreg:$0x1] =	wrdreg $0xFFFFFFFF  }
0xa8: {  	s28 =	simm.s32 $_size_execute0_lowered;
	s4 =	sadd.s32 s4, s6;
	[dreg:$0x0] =	wrdreg $0x0  }
0xa9: {  	s6 =	sshll.u32 s28, $0x1;
	[dreg:$0x2] =	wrdreg s4  }
0xaa: {  	[dreg:$0x3] =	wrdreg s6  }
0xab: {  	[dreg:$0x4] =	wrdreg $0xC0  }
0xac: {  	_ =	task [dreg:s8], $0x5FFFF  }
0xad: {  	[dreg:$0x1] =	wrdreg $0xFFFFFFFF  }
0xae: {  	[dreg:$0x0] =	wrdreg $0x60  }
0xaf: {  	[dreg:$0x2] =	wrdreg s2  }
0xb0: {  	[dreg:$0x3] =	wrdreg s24  }
0xb1: {  	[dreg:$0x4] =	wrdreg s18  }
0xb2: {  	[dreg:$0x5] =	wrdreg $0x0  }
0xb3: {  	[dreg:$0x6] =	wrdreg $0x9  }
0xb4: {  	_ =	task.clear_ibuf [dreg:s8], $0x7FFFF;
	_ =	strace $0x90000046  }
0xb5: {  	s29 =	simm.s32 $0x9;
	_ =	strace $0x80000048  }
0xb6: {  	_ =	swait.ge [sflag:s29], $0x1  }
0xb7: {  	[sflag:s29] =	ssyncadd.s32 $0xFFFFFFFF  }
0xb8: {  	_ =	strace $0x90000048  }
0xb9: {  	_ =	sfence  }
0xba: {  	s30 =	sld [smem:$0x0];
	_ =	sdelay $0x2  }
0xbb: {  	s31 =	sshll.u32 s1, $0xD;
	s1 =	sshrl.u32 s1, $0x2  }
0xbc: {  	s3 =	sand.u32 $0x4000, s31;
	s1 =	sadd.s32 s1, s30  }
0xbd: {  	s0 =	sor.u32 s3, s0;
	s1 =	sshll.u32 s1, $0x11  }
0xbe: {  	s0 =	sor.u32 s1, s0  }
0xbf: {  	s0 =	sadd.s32 $0x8F2B, s0  }
0xc0: {  	[sflag:s0] =	ssyncadd.remote.s32 $0x1  }
0xc1: {  	_ =	sfence.sel $0xFFFF  }
0xc2: {  	[dreg:$0x0] =	wrdreg $0xFFFFFFFF;
	(pc) =	sbr.abs _section_cstart, $3  }
0xc3: {  	[dreg:$0x1] =	wrdreg $0xFFFFFFFF  }
0xc4: {  	_ =	task.clear_ibuf [dreg:s8], $0x2FFFF;
	_ =	strace $0x9FFFFFFF  }
0xc5: {  	(tm) =	ssettm $0x7FFFFFFF  }
tec
execute0_lowered:
.L_overlay_start_1:
0x0: {  	(tag) =	ssettag $0x1  }
0x1: {  	s1 =	rddreg [dreg:$0x0]  }
0x2: {  	s0 =	rddreg [dreg:$0x1]  }
0x3: {  	s4 =	rddreg [dreg:$0x3]  }
0x4: {  	s2 =	srdreg.scid;
	s3 =	simm.s32 $0x0;
	s13 =	stileid.u32  }
0x5: {  	s28 =	simm.s32 $0xB800;
	s29 =	simm.s32 $0xB500;
	s30 =	simm.s32 $0xB700  }
0x6: {  	s31 =	simm.s32 $0x1;
	s2 =	sand.u32 $0x1, s2;
	s15 =	smul.u32 $0xA000, s13  }
0x7: {  	[smem:$0x7FF] =	sst s3;
	s6 =	sadd.s32 $0x1C00, s0;
	s10 =	smul.u32 $0x28000, s13  }
0x8: {  	s17 =	sshll.u32 s13, $0x7;
	s20 =	sshll.u32 s13, $0x6;
	s24 =	smul.u32 $0xA00, s13  }
0x9: {  	s5 =	sshll.u32 s2, $0x4;
	_ =	strace $0x80000047;
	s7 =	smul.u32 $0xA0000, s2  }
0xa: {  	s18 =	ssub.s32 $0x2, s2;
	s21 =	smul.u32 $0xA000, s2;
	s2 =	simm.s32 $0x2  }
0xb: {  	s5 =	sor.u32 s13, s5;
	s8 =	sshrl.u32 s15, $0x3;
	s11 =	sshrl.u32 s18, $0x1  }
0xc: {  	s19 =	sshrl.u32 s10, $0x2;
	s9 =	sshrl.u32 s5, $0x3;
	s3 =	sadd.s32 s15, s7  }
0xd: {  	s8 =	sadd.s32 s8, s0;
	s11 =	ssub.s32 s18, s11;
	s5 =	smul.u32 $0xA00, s5  }
0xe: {  	s12 =	sadd.s32 s19, s4;
	s19 =	simm.s32 $0x5;
	s16 =	smul.u32 $0xA000, s9  }
0xf: {  	s3 =	sshrl.u32 s3, $0x3;
	s9 =	sand.u32 $0x380, s17;
	s8 =	sadd.s32 $0x15C00, s8  }
0x10: {  	s26 =	smax.u32 s11, $0x1;
	s18 =	sshrl.u32 s12, $0x3;
	s3 =	sadd.s32 s3, s0  }
0x11: {  	[dreg:$0x5] =	wrdreg s8;
	s8 =	sor.u32 $0x1C05, s20;
	s10 =	sadd.s32 s6, s5  }
0x12: {  	[dreg:$0xb] =	wrdreg s26;
	s20 =	simm.s32 $0xA000;
	s22 =	sadd.s32 $0x10, s10  }
0x13: {  	s26 =	simm.s32 $0x100;
	s23 =	sadd.s32 $0x110, s10;
	[dreg:$0x7] =	wrdreg s22  }
0x14: {  	s7 =	sor.u32 s9, s16;
	s3 =	sadd.s32 $0x2EC00, s3;
	[dreg:$0x8] =	wrdreg s23  }
0x15: {  	s9 =	sadd.s32 $0x1D00, s0;
	s7 =	sshrl.u32 s7, $0x3;
	[dreg:$0x9] =	wrdreg s3  }
0x16: {  	s22 =	simm.s32 $0x400;
	s23 =	simm.s32 $0xB400;
	s3 =	simm.s32 $0x13800  }
0x17: {  	s7 =	sadd.s32 s7, s0;
	s0 =	sadd.s32 s5, s9;
	s5 =	simm.s32 $0x0  }
0x18: {  	[dreg:$0x6] =	wrdreg s0;
	s25 =	sadd.s32 $0x29C00, s7;
	s0 =	sadd.s32 s24, s21  }
0x19: {  	s21 =	simm.s32 $0x80;
	s24 =	simm.s32 $0xB600;
	[dreg:$0xa] =	wrdreg s25  }
0x1a: {  	v0 =	vimm.f32 $1.000000000e+00;
	[dreg:$0xc] =	wrdreg s0;
	s25 =	simm.s32 $0x3;
	s0 =	simm.s32 $0x4  }
.LBB2_1:
0x1b: {  	s7 =	rddreg [dreg:$0x5]  }
0x1c: {  	[spmem:s18], [sflag:s8] =	dma.local [hbm:s7], $0x1400  }
0x1d: {  	_ =	swait.ge [sflag:s19], $0x1400  }
0x1e: {  	[sflag:s19] =	ssyncset.done $0x0  }
0x1f: {  	[sflag:s19] =	ssyncadd.s32 $0xFFFFEC00  }
0x20: {  	s11 =	simm.s32 $0x0;
	s14 =	rddreg [dreg:$0x2]  }
0x21: {  	[tilespmem:s20], [sflag:$0x5] =	stream.linear.gather [hbm4b:s14+s11], $0x1400, $0x38;
	[tilespmem:$0x1B800] =	vst v63  }
0x22: {  	_ =	swait.ge [sflag:s19], $0x1400  }
0x23: {  	[sflag:s19] =	ssyncset.done $0x0  }
0x24: {  	[sflag:s19] =	ssyncadd.s32 $0xFFFFEC00  }
0x25: {  	[bflag:$0x0] =	sbarrier.arrive $0xFFFF  }
0x26: {  	[tilespmem:s23], [sflag:$0x3] =	stream.strided.gather [hbm4b:s10+s21], $0x100, s22, s21, $0x38;
	[tilespmem:$0x1B800] =	vst v63  }
0x27: {  	s15 =	rddreg [dreg:$0x6]  }
0x28: {  	[tilespmem:s24], [sflag:$0x3] =	stream.strided.gather [hbm4b:s15+s21], $0x100, s22, s21, $0x38;
	[tilespmem:$0x1B800] =	vst v63  }
0x29: {  	_ =	swait.ge [sflag:s25], $0x100  }
0x2a: {  	[sflag:s25] =	ssyncset.done $0x0  }
0x2b: {  	[sflag:s25] =	ssyncadd.s32 $0xFFFFFF00  }
0x2c: {  	_ =	swait.ge [sflag:s25], $0x100  }
0x2d: {  	[sflag:s25] =	ssyncset.done $0x0  }
0x2e: {  	[sflag:s25] =	ssyncadd.s32 $0xFFFFFF00  }
0x2f: {  	[tilespmem:s28], [sflag:$0x1] =	stream.indirect.gather [hbm4b:s1+s26], $0x80, s23, s26, $0xb8;
	[tilespmem:$0x1B800] =	vst v63  }
0x30: {  	s16 =	rddreg [dreg:$0x7]  }
0x31: {  	[tilespmem:s29], [sflag:$0x4] =	stream.strided.gather [hbm4b:s16+s21], $0x100, s22, s21, $0x38;
	[tilespmem:$0x1B800] =	vst v63  }
0x32: {  	s17 =	rddreg [dreg:$0x8]  }
0x33: {  	[tilespmem:s30], [sflag:$0x4] =	stream.strided.gather [hbm4b:s17+s21], $0x100, s22, s21, $0x38;
	[tilespmem:$0x1B800] =	vst v63  }
0x34: {  	s7 =	simm.s32 $0x30;
	s17 =	rddreg [dreg:$0xc]  }
.LBB2_2:
0x35: {  	_ =	swait.ge [sflag:s31], $0x8000  }
0x36: {  	[sflag:s31] =	ssyncset.done $0x0  }
0x37: {  	[sflag:s31] =	ssyncadd.s32 $0xFFFF8000  }
0x38: {  	_ =	swait.ge [sflag:s0], $0x100  }
0x39: {  	[sflag:s0] =	ssyncset.done $0x0  }
0x3a: {  	[sflag:s0] =	ssyncadd.s32 $0xFFFFFF00  }
0x3b: {  	_ =	swait.ge [sflag:s0], $0x100  }
0x3c: {  	[sflag:s0] =	ssyncset.done $0x0  }
0x3d: {  	[sflag:s0] =	ssyncadd.s32 $0xFFFFFF00  }
0x3e: {  	[tilespmem:s3], [sflag:$0x2] =	stream.indirect.gather [hbm4b:s1+s26], $0x80, s29, s26, $0xb8;
	[tilespmem:$0x1B800] =	vst v63  }
0x3f: {  	_ = 	snop  }
0x40: {  	[spmem:s4] =	stream.indirect.scatter.add.f32 [tilespmem:s28], [sflag:$0x5], $0x80, s24, s26, $0xb8;
	[tilespmem:$0x1B800] =	vst v63  }
0x41: {  	_ =	swait.ge [sflag:s19], $0x8000  }
0x42: {  	[sflag:s19] =	ssyncset.done $0x0  }
0x43: {  	[sflag:s19] =	ssyncadd.s32 $0xFFFF8000  }
0x44: {  	v1 =	vld [tilespmem:$0xB600];
	_ =	sdelay $0x7  }
0x45: {  	[tilespmem:v1+s20+$0x0] =	vst.idx.add.f32.msk $0xffff, v0  }
0x46: {  	v1 =	vld [tilespmem:$0xB610];
	_ =	sdelay $0x7  }
0x47: {  	[tilespmem:v1+s20+$0x0] =	vst.idx.add.f32.msk $0xffff, v0  }
0x48: {  	v1 =	vld [tilespmem:$0xB620];
	_ =	sdelay $0x7  }
0x49: {  	[tilespmem:v1+s20+$0x0] =	vst.idx.add.f32.msk $0xffff, v0  }
0x4a: {  	v1 =	vld [tilespmem:$0xB630];
	_ =	sdelay $0x7  }
0x4b: {  	[tilespmem:v1+s20+$0x0] =	vst.idx.add.f32.msk $0xffff, v0  }
0x4c: {  	v1 =	vld [tilespmem:$0xB640];
	_ =	sdelay $0x7  }
0x4d: {  	[tilespmem:v1+s20+$0x0] =	vst.idx.add.f32.msk $0xffff, v0  }
0x4e: {  	v1 =	vld [tilespmem:$0xB650];
	_ =	sdelay $0x7  }
0x4f: {  	[tilespmem:v1+s20+$0x0] =	vst.idx.add.f32.msk $0xffff, v0  }
0x50: {  	v1 =	vld [tilespmem:$0xB660];
	_ =	sdelay $0x7  }
0x51: {  	[tilespmem:v1+s20+$0x0] =	vst.idx.add.f32.msk $0xffff, v0  }
0x52: {  	v1 =	vld [tilespmem:$0xB670];
	_ =	sdelay $0x7  }
0x53: {  	[tilespmem:v1+s20+$0x0] =	vst.idx.add.f32.msk $0xffff, v0  }
0x54: {  	v1 =	vld [tilespmem:$0xB680];
	_ =	sdelay $0x7  }
0x55: {  	[tilespmem:v1+s20+$0x0] =	vst.idx.add.f32.msk $0xffff, v0  }
0x56: {  	v1 =	vld [tilespmem:$0xB690];
	_ =	sdelay $0x7  }
0x57: {  	[tilespmem:v1+s20+$0x0] =	vst.idx.add.f32.msk $0xffff, v0  }
0x58: {  	v1 =	vld [tilespmem:$0xB6A0];
	_ =	sdelay $0x7  }
0x59: {  	[tilespmem:v1+s20+$0x0] =	vst.idx.add.f32.msk $0xffff, v0  }
0x5a: {  	v1 =	vld [tilespmem:$0xB6B0];
	_ =	sdelay $0x7  }
0x5b: {  	[tilespmem:v1+s20+$0x0] =	vst.idx.add.f32.msk $0xffff, v0  }
0x5c: {  	v1 =	vld [tilespmem:$0xB6C0];
	_ =	sdelay $0x7  }
0x5d: {  	[tilespmem:v1+s20+$0x0] =	vst.idx.add.f32.msk $0xffff, v0  }
0x5e: {  	v1 =	vld [tilespmem:$0xB6D0];
	_ =	sdelay $0x7  }
0x5f: {  	[tilespmem:v1+s20+$0x0] =	vst.idx.add.f32.msk $0xffff, v0  }
0x60: {  	v1 =	vld [tilespmem:$0xB6E0];
	_ =	sdelay $0x7  }
0x61: {  	[tilespmem:v1+s20+$0x0] =	vst.idx.add.f32.msk $0xffff, v0  }
0x62: {  	v1 =	vld [tilespmem:$0xB6F0];
	_ =	sdelay $0x3  }
0x63: {  	p0 =	seq.s32 s7, $0x290  }
0x64: {  	s12 =	sadd.s32 @!p0 $0x80, s17;
	s13 =	sadd.s32 @!p0 $0xFFFFFFF0, s7  }
0x65: {  	s14 =	sand.u32 @!p0 $0xFFFFE00, s12;
	s13 =	sand.u32 @!p0 $0x60, s13  }
0x66: {  	s16 =	simm.s32 @!p0 $0x80;
	s14 =	sor.u32 @!p0 s13, s14  }
0x67: {  	s11 =	simm.s32 @!p0 $0x400;
	s13 =	simm.s32 @!p0 $0xB400;
	s15 =	sadd.s32 @!p0 s6, s14;
	[tilespmem:v1+s20+$0x0] =	vst.idx.add.f32.msk $0xffff, v0  }
0x68: {  	[tilespmem:s13], [sflag:$0x3] =	stream.strided.gather @!p0 [hbm4b:s15+s16], $0x100, s11, s16, $0x38;
	[tilespmem:$0x1B800] =	vst v63  }
0x69: {  	s14 =	sadd.s32 @!p0 s14, s9;
	s15 =	simm.s32 @!p0 $0xB600  }
0x6a: {  	[tilespmem:s15], [sflag:$0x3] =	stream.strided.gather @!p0 [hbm4b:s14+s16], $0x100, s11, s16, $0x38;
	[tilespmem:$0x1B800] =	vst v63  }
0x6b: {  	_ =	swait.ge [sflag:s2], $0x8000  }
0x6c: {  	[sflag:s2] =	ssyncset.done $0x0  }
0x6d: {  	[sflag:s2] =	ssyncadd.s32 $0xFFFF8000  }
0x6e: {  	[spmem:s4] =	stream.indirect.scatter.add.f32 [tilespmem:s3], [sflag:$0x5], $0x80, s30, s26, $0xb8;
	[tilespmem:$0x1B800] =	vst v63  }
0x6f: {  	_ =	swait.ge [sflag:s19], $0x8000  }
0x70: {  	[sflag:s19] =	ssyncset.done $0x0  }
0x71: {  	[sflag:s19] =	ssyncadd.s32 $0xFFFF8000  }
0x72: {  	v1 =	vld [tilespmem:$0xB700];
	_ =	sdelay $0x7  }
0x73: {  	[tilespmem:v1+s20+$0x0] =	vst.idx.add.f32.msk $0xffff, v0  }
0x74: {  	v1 =	vld [tilespmem:$0xB710];
	_ =	sdelay $0x7  }
0x75: {  	[tilespmem:v1+s20+$0x0] =	vst.idx.add.f32.msk $0xffff, v0  }
0x76: {  	v1 =	vld [tilespmem:$0xB720];
	_ =	sdelay $0x7  }
0x77: {  	[tilespmem:v1+s20+$0x0] =	vst.idx.add.f32.msk $0xffff, v0  }
0x78: {  	v1 =	vld [tilespmem:$0xB730];
	_ =	sdelay $0x7  }
0x79: {  	[tilespmem:v1+s20+$0x0] =	vst.idx.add.f32.msk $0xffff, v0  }
0x7a: {  	v1 =	vld [tilespmem:$0xB740];
	_ =	sdelay $0x7  }
0x7b: {  	[tilespmem:v1+s20+$0x0] =	vst.idx.add.f32.msk $0xffff, v0  }
0x7c: {  	v1 =	vld [tilespmem:$0xB750];
	_ =	sdelay $0x7  }
0x7d: {  	[tilespmem:v1+s20+$0x0] =	vst.idx.add.f32.msk $0xffff, v0  }
0x7e: {  	v1 =	vld [tilespmem:$0xB760];
	_ =	sdelay $0x7  }
0x7f: {  	[tilespmem:v1+s20+$0x0] =	vst.idx.add.f32.msk $0xffff, v0  }
0x80: {  	v1 =	vld [tilespmem:$0xB770];
	_ =	sdelay $0x7  }
0x81: {  	[tilespmem:v1+s20+$0x0] =	vst.idx.add.f32.msk $0xffff, v0  }
0x82: {  	v1 =	vld [tilespmem:$0xB780];
	_ =	sdelay $0x7  }
0x83: {  	[tilespmem:v1+s20+$0x0] =	vst.idx.add.f32.msk $0xffff, v0  }
0x84: {  	v1 =	vld [tilespmem:$0xB790];
	_ =	sdelay $0x7  }
0x85: {  	[tilespmem:v1+s20+$0x0] =	vst.idx.add.f32.msk $0xffff, v0  }
0x86: {  	v1 =	vld [tilespmem:$0xB7A0];
	_ =	sdelay $0x7  }
0x87: {  	[tilespmem:v1+s20+$0x0] =	vst.idx.add.f32.msk $0xffff, v0  }
0x88: {  	v1 =	vld [tilespmem:$0xB7B0];
	_ =	sdelay $0x7  }
0x89: {  	[tilespmem:v1+s20+$0x0] =	vst.idx.add.f32.msk $0xffff, v0  }
0x8a: {  	v1 =	vld [tilespmem:$0xB7C0];
	_ =	sdelay $0x7  }
0x8b: {  	[tilespmem:v1+s20+$0x0] =	vst.idx.add.f32.msk $0xffff, v0  }
0x8c: {  	v1 =	vld [tilespmem:$0xB7D0];
	_ =	sdelay $0x7  }
0x8d: {  	[tilespmem:v1+s20+$0x0] =	vst.idx.add.f32.msk $0xffff, v0  }
0x8e: {  	v1 =	vld [tilespmem:$0xB7E0];
	_ =	sdelay $0x7  }
0x8f: {  	[tilespmem:v1+s20+$0x0] =	vst.idx.add.f32.msk $0xffff, v0  }
0x90: {  	v1 =	vld [tilespmem:$0xB7F0];
	_ =	sdelay $0x4  }
0x91: {  	s14 =	sadd.s32 @!p0 $0xC0, s17  }
0x92: {  	s15 =	sand.u32 @!p0 $0x70, s7;
	s14 =	sand.u32 @!p0 $0xFFFFE00, s14  }
0x93: {  	s14 =	sor.u32 @!p0 s15, s14  }
0x94: {  	s17 =	simm.s32 @!p0 $0xB500;
	s15 =	sadd.s32 @!p0 s6, s14;
	[tilespmem:v1+s20+$0x0] =	vst.idx.add.f32.msk $0xffff, v0  }
0x95: {  	[tilespmem:s17], [sflag:$0x4] =	stream.strided.gather @!p0 [hbm4b:s15+s16], $0x100, s11, s16, $0x38;
	[tilespmem:$0x1B800] =	vst v63  }
0x96: {  	s14 =	sadd.s32 @!p0 s14, s9;
	s15 =	simm.s32 @!p0 $0xB700  }
0x97: {  	[tilespmem:s15], [sflag:$0x4] =	stream.strided.gather @!p0 [hbm4b:s14+s16], $0x100, s11, s16, $0x38;
	[tilespmem:$0x1B800] =	vst v63  }
0x98: {  	s11 =	simm.s32 @!p0 $0x3  }
0x99: {  	_ =	swait.ge @!p0 [sflag:s11], $0x100  }
0x9a: {  	[sflag:s11] =	ssyncset.done @!p0 $0x0  }
0x9b: {  	[sflag:s11] =	ssyncadd.s32 @!p0 $0xFFFFFF00  }
0x9c: {  	s7 =	sadd.s32 @!p0 $0x20, s7;
	_ =	swait.ge @!p0 [sflag:s11], $0x100  }
0x9d: {  	p1 =	sne.s32 @!p0 s7, $0x2B0;
	[sflag:s11] =	ssyncset.done @!p0 $0x0  }
0x9e: {  	s14 =	simm.s32 @!p0 $0xB800;
	[sflag:s11] =	ssyncadd.s32 @!p0 $0xFFFFFF00;
	s11 =	simm.s32 @!p0 $0x100  }
0x9f: {  	[tilespmem:s14], [sflag:$0x1] =	stream.indirect.gather @!p0 [hbm4b:s1+s11], $0x80, s13, s11, $0xb8;
	[tilespmem:$0x1B800] =	vst v63  }
0xa0: {  	p0 =	por p0, !p1  }
.Ltmp0:
0xa1: {  	_ = 	snop;
	(pc) =	sbr.rel @!p0 .LBB2_2-.Ltmp0, $2  }
0xa2: {  	_ =	sdelay $0x2  }
0xa3: {  	s17 =	smov.u32 s12  }
0xa4: {  	[bflag:$0x0] =	sbarrier.arrive $0xFFFF  }
0xa5: {  	s7 =	rddreg [dreg:$0x9]  }
0xa6: {  	[hbm:s7], [sflag:s8] =	dma.local [spmem:s18], $0x1400  }
0xa7: {  	_ =	swait.ge [sflag:s19], $0x1400  }
0xa8: {  	[sflag:s19] =	ssyncset.done $0x0  }
0xa9: {  	s16 =	rddreg [dreg:$0xa];
	[sflag:s19] =	ssyncadd.s32 $0xFFFFEC00  }
0xaa: {  	[hbm4b:s16+s21] =	stream.strided.scatter [tilespmem:s20], [sflag:$0x5], $0x1400, s22, s21, $0x38;
	[tilespmem:$0x1B800] =	vst v63  }
0xab: {  	_ =	swait.ge [sflag:s19], $0x1400  }
0xac: {  	s5 =	sadd.s32 $0x1, s5;
	s17 =	rddreg [dreg:$0xb]  }
0xad: {  	p0 =	sne.s32 s5, s17  }
.Ltmp1:
0xae: {  	_ = 	snop;
	(pc) =	sbr.rel @p0 .LBB2_1-.Ltmp1, $3  }
0xaf: {  	_ =	sdelay $0x1  }
0xb0: {  	[sflag:s19] =	ssyncset.done $0x0  }
0xb1: {  	[sflag:s19] =	ssyncadd.s32 $0xFFFFEC00  }
0xb2: {  	_ =	sfence.sel $0x180000  }
0xb3: {  	[bflag:$0x0] =	sbarrier.arrive $0xFFFF  }
0xb4: {  	_ =	strace $0x90000047  }
0xb5: {  	s0 =	stileid.u32;
	[bflag:$0x2] =	sbarrier.arrive $0xFFFF  }
0xb6: {  	p0 =	sne.s32 s0, $0x0;
	s0 =	rddreg [dreg:$0x4]  }
0xb7: {  	s0 =	sadd.s32 @!p0 $0x100000, s0  }
0xb8: {  	[sflag:s0] =	ssyncadd.tile.s32 @!p0 $0x1;
	_ =	shalt  }
.Lfunc_end2:
_tile_overlayer_lowered:
.L_overlay_start_2:
0xb9: {  	(tag) =	ssettag $0x2  }
0xba: {  	s0 =	rddreg [dreg:$0x0];
	s2 =	stileid.u32  }
0xbb: {  	s1 =	rddreg [dreg:$0x1];
	p0 =	sne.s32 s2, $0x0  }
0xbc: {  	s3 =	rddreg [dreg:$0x2];
	[bflag:$0x3] =	sbarrier.arrive $0xFFFF;
	s2 =	simm.s32 @!p0 $0x1C05  }
0xbd: {  	[timem:s3], [sflag:s2] =	dma.local @!p0 [hbm:s0], s1  }
0xbe: {  	s0 =	simm.s32 @!p0 $0x5  }
0xbf: {  	_ =	swait.ge @!p0 [sflag:s0], s1  }
0xc0: {  	s1 =	ssub.s32 @!p0 $0x0, s1;
	[sflag:s0] =	ssyncset.done @!p0 $0x0  }
0xc1: {  	[sflag:s0] =	ssyncadd.s32 @!p0 s1  }
0xc2: {  	[bflag:$0x3] =	sbarrier.arrive $0xFFFF  }
0xc3: {  	_ =	shalt  }

// kernel: kernel.9.cloned.1.call-start
scs
__scs_entry_jumppad:
0x0: {  	(pc) =	sbr.rel $0x88, $3  }
0x1: {  	(tag) =	ssettag $0x0;
	lr =	simm.s32 $0x1  }
0x2: {  	[smem:$0x3F98] =	sst lr;
	_ =	strace $0xD0000000  }
0x3: {  	_ = 	snop  }
0x4: {  	_ = 	snop  }
0x5: {  	_ = 	snop  }
0x6: {  	_ = 	snop  }
0x7: {  	_ = 	snop  }
__scs_overlays_trampoline_lowered:
0x8: {  	[smem:$0x3FA7] =	sst s0  }
0x9: {  	[smem:$0x3FA8] =	sst s1  }
0xa: {  	[smem:$0x3FA9] =	sst s2  }
0xb: {  	[smem:$0x3FAA] =	sst s3  }
0xc: {  	[smem:$0x3FAB] =	sst s4  }
0xd: {  	[smem:$0x3FAC] =	sst s5  }
0xe: {  	[smem:$0x3FAD] =	sst s6  }
0xf: {  	[smem:$0x3FAE] =	sst s7  }
0x10: {  	[smem:$0x3FAF] =	sst s8  }
0x11: {  	[smem:$0x3FB0] =	sst s9;
	s0 =	simm.s32 @!p0 $0x0  }
0x12: {  	s1 =	sld [smem:$0x3F96];
	s0 =	simm.s32 @p0 $0x1  }
0x13: {  	[smem:$0x3FB1] =	sst s0;
	s0 =	simm.s32 @!p1 $0x0  }
0x14: {  	s2 =	sld [smem:$0x3F95];
	s0 =	simm.s32 @p1 $0x1  }
0x15: {  	[smem:$0x3FB2] =	sst s0;
	s0 =	simm.s32 @!p2 $0x0  }
0x16: {  	s3 =	sld [smem:$0x3FDB];
	s0 =	simm.s32 @p2 $0x1  }
0x17: {  	s4 =	simm.s32 $0x1BF5;
	[smem:$0x3FB4] =	sst s0  }
0x18: {  	s0 =	sld [smem:$0x3F97];
	_ =	swait.ge [sflag:s4], $0x0  }
0x19: {  	s7 =	sld [smem:$0x3F98]  }
0x1a: {  	s8 =	sadd.s32 $0xFFFFE003, lr  }
0x1b: {  	s9 =	sadd.s32 $0xFFFFFEF7, lr;
	s5 =	simm.s32 $0xFFFFFFFF;
	p2 =	slt.u32 s8, $0xFFFFF086  }
0x1c: {  	p1 =	slt.u32 s9, $0xF7A;
	s5 =	simm.s32 @!p2 $0x0  }
0x1d: {  	s5 =	simm.s32 @p1 $0x1;
	p0 =	seq.s32 s7, s2  }
0x1e: {  	s7 =	smul.u32 @!p0 $0xF7A, s2;
	p2 =	seq.s32 @!p0 s5, $0x0  }
0x1f: {  	s9 =	smul.u32 $0xF7A, s1;
	s8 =	simm.s32 @!p0 $0x1BF5;
	p2 =	por !p2, p0  }
0x20: {  	[sflag:s8] =	ssyncset.s32 @!p0 $0xFFFFF086;
	s6 =	sadd.s32 @!p0 s3, s7;
	s7 =	simm.s32 @!p0 $0x108  }
0x21: {  	s3 =	sadd.s32 s3, s9;
	s6 =	sadd.s32 @!p0 $0x88, s6;
	s7 =	simm.s32 @p2 $0x1082  }
0x22: {  	[simem:s7], [sflag:s8] =	dma.local @!p0 [hbm:s6], $0xF7A  }
0x23: {  	s9 =	sor.u32 $0xD0000000, s2;
	s6 =	simm.s32 $0x108;
	_ =	swait.ge @!p0 [sflag:s8], $0x0  }
0x24: {  	s3 =	sadd.s32 $0x88, s3;
	s6 =	simm.s32 @!p1 $0x1082;
	[sflag:s4] =	ssyncset.s32 $0xFFFFF086  }
0x25: {  	[simem:s6], [sflag:s4] =	dma.local [hbm:s3], $0xF7A  }
0x26: {  	[smem:$0x3F98] =	sst s1;
	(tag) =	ssettag s2;
	_ =	strace s9  }
0x27: {  	s1 =	sld [smem:$0x3FA8]  }
0x28: {  	s2 =	sld [smem:$0x3FA9]  }
0x29: {  	s4 =	sld [smem:$0x3FAB]  }
0x2a: {  	p0 =	seq.s32 s5, $0x0;
	s5 =	sld [smem:$0x3FAC]  }
0x2b: {  	s6 =	sld [smem:$0x3FAD]  }
0x2c: {  	s7 =	sld [smem:$0x3FAE]  }
0x2d: {  	s3 =	simm.s32 $0x108;
	s8 =	sld [smem:$0x3FAF]  }
0x2e: {  	s3 =	simm.s32 @!p0 $0x1082;
	s9 =	sld [smem:$0x3FB0]  }
0x2f: {  	lr =	sadd.s32 s0, s3;
	s0 =	sld [smem:$0x3FA7]  }
0x30: {  	s3 =	sld [smem:$0x3FAA]  }
0x31: {  	[smem:$0x3FB3] =	sst s10  }
0x32: {  	s10 =	sld [smem:$0x3FB1];
	_ =	sdelay $0x3  }
0x33: {  	p0 =	seq.s32 s10, $0x1;
	s10 =	sld [smem:$0x3FB3];
	_ =	sdelay $0x3  }
0x34: {  	[smem:$0x3FB3] =	sst s10  }
0x35: {  	s10 =	sld [smem:$0x3FB2];
	_ =	sdelay $0x3  }
0x36: {  	p1 =	seq.s32 s10, $0x1;
	s10 =	sld [smem:$0x3FB3];
	_ =	sdelay $0x3  }
0x37: {  	[smem:$0x3FB3] =	sst s10  }
0x38: {  	s10 =	sld [smem:$0x3FB4]  }
0x39: {  	_ = 	snop;
	(pc) =	sbr.ind lr, $3  }
0x3a: {  	_ = 	snop  }
0x3b: {  	_ = 	snop  }
0x3c: {  	p2 =	seq.s32 s10, $0x1;
	s10 =	sld [smem:$0x3FB3]  }
0x3d: {  	_ =	shalt  }
0x3e: {  	_ =	shalt  }
0x3f: {  	_ =	shalt  }
0x40: {  	_ =	shalt  }
0x41: {  	_ =	shalt  }
0x42: {  	_ =	shalt  }
0x43: {  	_ =	shalt  }
0x44: {  	_ =	shalt  }
0x45: {  	_ =	shalt  }
0x46: {  	_ =	shalt  }
0x47: {  	_ =	shalt  }
0x48: {  	_ =	shalt  }
0x49: {  	_ =	shalt  }
0x4a: {  	_ =	shalt  }
0x4b: {  	_ =	shalt  }
0x4c: {  	_ =	shalt  }
0x4d: {  	_ =	shalt  }
0x4e: {  	_ =	shalt  }
0x4f: {  	_ =	shalt  }
0x50: {  	_ =	shalt  }
0x51: {  	_ =	shalt  }
0x52: {  	_ =	shalt  }
0x53: {  	_ =	shalt  }
0x54: {  	_ =	shalt  }
0x55: {  	_ =	shalt  }
0x56: {  	_ =	shalt  }
0x57: {  	_ =	shalt  }
0x58: {  	_ =	shalt  }
0x59: {  	_ =	shalt  }
0x5a: {  	_ =	shalt  }
0x5b: {  	_ =	shalt  }
0x5c: {  	_ =	shalt  }
0x5d: {  	_ =	shalt  }
0x5e: {  	_ =	shalt  }
0x5f: {  	_ =	shalt  }
0x60: {  	_ =	shalt  }
0x61: {  	_ =	shalt  }
0x62: {  	_ =	shalt  }
0x63: {  	_ =	shalt  }
0x64: {  	_ =	shalt  }
0x65: {  	_ =	shalt  }
0x66: {  	_ =	shalt  }
0x67: {  	_ =	shalt  }
0x68: {  	_ =	shalt  }
0x69: {  	_ =	shalt  }
0x6a: {  	_ =	shalt  }
0x6b: {  	_ =	shalt  }
0x6c: {  	_ =	shalt  }
0x6d: {  	_ =	shalt  }
0x6e: {  	_ =	shalt  }
0x6f: {  	_ =	shalt  }
0x70: {  	_ =	shalt  }
0x71: {  	_ =	shalt  }
0x72: {  	_ =	shalt  }
0x73: {  	_ =	shalt  }
0x74: {  	_ =	shalt  }
0x75: {  	_ =	shalt  }
0x76: {  	_ =	shalt  }
0x77: {  	_ =	shalt  }
0x78: {  	_ =	shalt  }
0x79: {  	_ =	shalt  }
0x7a: {  	_ =	shalt  }
0x7b: {  	_ =	shalt  }
0x7c: {  	_ =	shalt  }
0x7d: {  	_ =	shalt  }
0x7e: {  	_ =	shalt  }
0x7f: {  	_ =	shalt  }
0x80: {  	_ =	shalt  }
0x81: {  	_ =	shalt  }
0x82: {  	_ =	shalt  }
0x83: {  	_ =	shalt  }
0x84: {  	_ =	shalt  }
0x85: {  	_ =	shalt  }
0x86: {  	_ =	shalt  }
0x87: {  	_ =	shalt  }
.Lfunc_end0:
.L_simem_size_0:
called_computation.1_lowered:
.L_overlay_start_0:
0x88: {  	s2 =	sld [smem:$0x3FD9]  }
0x89: {  	s3 =	sld [smem:$0x3FFE];
	_ =	sdelay $0x1  }
0x8a: {  	s1 =	srdreg.scid  }
0x8b: {  	s0 =	sand.u32 $0x1, s1  }
0x8c: {  	s17 =	sshll.u32 s0, $0xA;
	s2 =	sadd.s32 s3, s2  }
0x8d: {  	s2 =	sadd.s32 s2, s17  }
0x8e: {  	[smem:$0x3FBF] =	sst s2  }
0x8f: {  	_ = 	snop  }
0x90: {  	s2 =	sld [smem:$0x3FD0];
	(tm) =	ssettm $0x1  }
0x91: {  	s18 =	sld [smem:$0x3FFB];
	_ =	sdelay $0x3  }
0x92: {  	_ =	strace s18  }
0x93: {  	s3 =	sld [smem:$0x3FFC];
	_ =	sdelay $0x3  }
0x94: {  	_ =	strace s3  }
0x95: {  	s3 =	sld [smem:$0x3FFD];
	_ =	sdelay $0x3  }
0x96: {  	_ =	strace s3  }
0x97: {  	_ =	strace $0x8FFFFFFF  }
0x98: {  	s19 =	sld [smem:$0x3FDB];
	_ =	sdelay $0x1  }
0x99: {  	s4 =	simm.s32 $_scs_section_size  }
0x9a: {  	s5 =	simm.s32 $_size__tile_overlayer_lowered;
	s6 =	simm.s32 $_tile_overlayer_lowered  }
0x9b: {  	s22 =	simm.s32 $0x1BFF;
	s21 =	sshll.u32 s6, $0x1;
	s3 =	sadd.s32 s4, s19  }
0x9c: {  	s7 =	simm.s32 $0x0;
	s20 =	sshll.u32 s5, $0x1;
	s5 =	sadd.s32 s21, s3  }
0x9d: {  	[timem:s7], [sflag:s22] =	dma.local [hbm:s5], s20  }
0x9e: {  	_ =	swait.ge [sflag:s22], s20  }
0x9f: {  	s4 =	ssub.s32 $0x0, s20;
	[sflag:s22] =	ssyncset.done $0x0  }
0xa0: {  	[sflag:s22] =	ssyncadd.s32 s4;
	_ =	sdelay $0x1  }
0xa1: {  	s23 =	simm.s32 $0x1B8B  }
0xa2: {  	_ =	swait.ge [sflag:s23], $0x1  }
0xa3: {  	[sflag:s23] =	ssyncset.done $0x0  }
0xa4: {  	s25 =	simm.s32 $0x1B8E;
	s24 =	sld [smem:$0x3FFE];
	[sflag:s23] =	ssyncadd.s32 $0xFFFFFFFF  }
0xa5: {  	s26 =	simm.s32 $execute0_lowered;
	[smem:$0x3FD2] =	sst s25  }
0xa6: {  	s5 =	sshll.u32 s26, $0x1;
	_ =	strace $0x80000049;
	[dreg:$0x1] =	wrdreg $0xFFFFFFFF  }
0xa7: {  	s28 =	simm.s32 $_size_execute0_lowered;
	s3 =	sadd.s32 s3, s5;
	[dreg:$0x0] =	wrdreg $0x0  }
0xa8: {  	s5 =	sshll.u32 s28, $0x1;
	[dreg:$0x2] =	wrdreg s3  }
0xa9: {  	[dreg:$0x3] =	wrdreg s5  }
0xaa: {  	[dreg:$0x4] =	wrdreg $0xC0  }
0xab: {  	_ =	task [dreg:s7], $0x5FFFF  }
0xac: {  	[dreg:$0x1] =	wrdreg $0xFFFFFFFF  }
0xad: {  	[dreg:$0x0] =	wrdreg $0x60  }
0xae: {  	[dreg:$0x2] =	wrdreg s24  }
0xaf: {  	[dreg:$0x3] =	wrdreg s2  }
0xb0: {  	[dreg:$0x4] =	wrdreg $0x0  }
0xb1: {  	[dreg:$0x5] =	wrdreg $0x24000  }
0xb2: {  	[dreg:$0x6] =	wrdreg $0x9  }
0xb3: {  	_ =	task.clear_ibuf [dreg:s7], $0x7FFFF;
	_ =	strace $0x90000049  }
0xb4: {  	s29 =	simm.s32 $0x9;
	_ =	strace $0x8000004B  }
0xb5: {  	_ =	swait.ge [sflag:s29], $0x1  }
0xb6: {  	[sflag:s29] =	ssyncadd.s32 $0xFFFFFFFF  }
0xb7: {  	_ =	strace $0x9000004B  }
0xb8: {  	_ =	sfence  }
0xb9: {  	s30 =	sld [smem:$0x0];
	_ =	sdelay $0x2  }
0xba: {  	s31 =	sshll.u32 s1, $0xD;
	s1 =	sshrl.u32 s1, $0x2  }
0xbb: {  	s3 =	sand.u32 $0x4000, s31;
	s1 =	sadd.s32 s1, s30  }
0xbc: {  	s0 =	sor.u32 s3, s0;
	s1 =	sshll.u32 s1, $0x11  }
0xbd: {  	s0 =	sor.u32 s1, s0  }
0xbe: {  	s0 =	sadd.s32 $0x8F2B, s0  }
0xbf: {  	[sflag:s0] =	ssyncadd.remote.s32 $0x1  }
0xc0: {  	_ =	sfence.sel $0xFFFF  }
0xc1: {  	[dreg:$0x0] =	wrdreg $0xFFFFFFFF;
	(pc) =	sbr.abs _section_cstart, $3  }
0xc2: {  	[dreg:$0x1] =	wrdreg $0xFFFFFFFF  }
0xc3: {  	_ =	task.clear_ibuf [dreg:s7], $0x2FFFF;
	_ =	strace $0x9FFFFFFF  }
0xc4: {  	(tm) =	ssettm $0x7FFFFFFF  }
0xc5: {  	_ =	shalt  }
tec
execute0_lowered:
.L_overlay_start_1:
0x0: {  	(tag) =	ssettag $0x1  }
0x1: {  	s0 =	rddreg [dreg:$0x0]  }
0x2: {  	s1 =	rddreg [dreg:$0x1]  }
0x3: {  	s2 =	rddreg [dreg:$0x2]  }
0x4: {  	s3 =	rddreg [dreg:$0x3]  }
0x5: {  	s18 =	stileid.u32;
	s6 =	simm.s32 $0x0;
	s5 =	srdreg.scid  }
0x6: {  	s28 =	simm.s32 $0x400;
	s30 =	simm.s32 $0xC6C0;
	s4 =	smul.u32 $0x2400, s18  }
0x7: {  	s31 =	simm.s32 $0x3;
	[smem:$0x7FF] =	sst s6;
	s19 =	smul.u32 $0x1380, s18  }
0x8: {  	s7 =	sand.u32 $0x1, s5;
	s5 =	sadd.s32 $0x56C00, s0;
	s11 =	smul.u32 $0x9000, s18  }
0x9: {  	s10 =	sadd.s32 $0x19E00, s0;
	s24 =	smul.u32 $0x27000, s18;
	s25 =	sshll.u32 s18, $0x6  }
0xa: {  	s16 =	sshll.u32 s18, $0x9;
	s13 =	sadd.s32 $0x92400, s3;
	s15 =	sadd.s32 $0x14080, s0  }
0xb: {  	p0 =	seq.s32 s18, $0xF;
	_ =	strace $0x8000004A;
	s9 =	smul.u32 $0x24000, s7  }
0xc: {  	[dreg:$0x5] =	wrdreg s10;
	s20 =	ssub.s32 $0x2, s7;
	s22 =	sshll.u32 s7, $0x4  }
0xd: {  	[dreg:$0x9] =	wrdreg s15;
	s8 =	sshrl.u32 s4, $0x3;
	s6 =	sadd.s32 s19, s0  }
0xe: {  	s21 =	sshrl.u32 s20, $0x1;
	s12 =	sor.u32 s18, s22;
	s22 =	smul.u32 $0x1400, s7  }
0xf: {  	s23 =	sshrl.u32 s11, $0x2;
	s26 =	sshrl.u32 s24, $0x2;
	s7 =	smul.u32 $0x5000, s7  }
0x10: {  	s24 =	smul.u32 $0x500, s18;
	s8 =	sadd.s32 s8, s0;
	s4 =	sadd.s32 s4, s9  }
0x11: {  	s10 =	ssub.s32 s20, s21;
	s9 =	sadd.s32 s23, s2;
	s29 =	smul.u32 $0x2800, s12  }
0x12: {  	s6 =	sadd.s32 $0x1C00, s6;
	s12 =	sshrl.u32 s12, $0x3;
	s20 =	sshll.u32 s18, $0x7  }
0x13: {  	s23 =	smul.u32 $0x140, s18;
	s4 =	sshrl.u32 s4, $0x3;
	[dreg:$0x6] =	wrdreg s9  }
0x14: {  	s8 =	sadd.s32 $0x15600, s8;
	s9 =	sor.u32 $0x1C05, s25;
	[dreg:$0x8] =	wrdreg s6  }
0x15: {  	s6 =	sand.u32 $0x200, s16;
	s12 =	smul.u32 $0x2400, s12;
	s21 =	sand.u32 $0x380, s20  }
0x16: {  	s4 =	sadd.s32 s4, s0;
	[dreg:$0x7] =	wrdreg s8;
	s8 =	sadd.s32 s26, s3  }
0x17: {  	s14 =	sand.u32 $0x7F000, s29;
	s16 =	sor.u32 s6, s29;
	s26 =	smax.u32 s10, $0x1  }
0x18: {  	s20 =	sadd.s32 s23, s22;
	s22 =	simm.s32 $0x5;
	s23 =	simm.s32 $0xC040  }
0x19: {  	s10 =	simm.s32 $0x148C0;
	s17 =	sor.u32 s6, s14;
	s16 =	sshrl.u32 s16, $0x3  }
0x1a: {  	s6 =	sor.u32 $0x80, s6;
	s11 =	sor.u32 s21, s12;
	s25 =	sadd.s32 $0x1A000, s4  }
0x1b: {  	[dreg:$0x10] =	wrdreg s26;
	s26 =	simm.s32 $0x80;
	s4 =	simm.s32 $0xC5C0  }
0x1c: {  	s12 =	simm.s32 $0x0;
	s15 =	sshrl.u32 s17, $0x3;
	s19 =	sor.u32 $0x100, s16  }
0x1d: {  	s14 =	sor.u32 s6, s14;
	s6 =	sor.u32 s6, s29;
	s11 =	sshrl.u32 s11, $0x3  }
0x1e: {  	s17 =	sadd.s32 $0x56D00, s0;
	[dreg:$0xf] =	wrdreg s25;
	s29 =	sadd.s32 s24, s7  }
0x1f: {  	s0 =	sshrl.u32 @p0 s13, $0x3;
	s7 =	simm.s32 $0x1;
	[dreg:$0x11] =	wrdreg s29  }
0x20: {  	s15 =	sadd.s32 s5, s15;
	s14 =	sshrl.u32 s14, $0x3;
	[dreg:$0x12] =	wrdreg s0  }
0x21: {  	s6 =	sshrl.u32 s6, $0x3;
	s1 =	sadd.s32 s1, s11;
	[dreg:$0xa] =	wrdreg s15  }
0x22: {  	s0 =	sshrl.u32 @!p0 s8, $0x3;
	s8 =	simm.s32 $0x4;
	[dreg:$0xe] =	wrdreg s1  }
0x23: {  	s11 =	simm.s32 $0x2;
	s15 =	sadd.s32 s5, s19;
	[dreg:$0x13] =	wrdreg s0  }
0x24: {  	s14 =	sadd.s32 s5, s14;
	s6 =	sor.u32 $0x100, s6;
	[dreg:$0xb] =	wrdreg s15  }
0x25: {  	s0 =	simm.s32 $0x100;
	[dreg:$0xc] =	wrdreg s14;
	s6 =	sadd.s32 s5, s6  }
0x26: {  	v0 =	vimm.f32 $1.000000000e+00;
	s1 =	simm.s32 $0xC8C0;
	[dreg:$0xd] =	wrdreg s6;
	s6 =	simm.s32 $0xC7C0  }
.LBB2_1:
0x27: {  	s13 =	rddreg [dreg:$0x6]  }
0x28: {  	s14 =	rddreg [dreg:$0x7];
	s13 =	sshrl.u32 s13, $0x3  }
0x29: {  	[spmem:s13], [sflag:s9] =	dma.local [hbm:s14], $0x480  }
0x2a: {  	_ =	swait.ge [sflag:s22], $0x480  }
0x2b: {  	[sflag:s22] =	ssyncset.done $0x0  }
0x2c: {  	s18 =	simm.s32 $0x0;
	s15 =	rddreg [dreg:$0x5];
	[sflag:s22] =	ssyncadd.s32 $0xFFFFFB80  }
0x2d: {  	[tilespmem:s23], [sflag:$0x5] =	stream.linear.gather [hbm4b:s15+s18], $0x480, $0x38;
	[tilespmem:$0x1C8C0] =	vst v63  }
0x2e: {  	_ =	swait.ge [sflag:s22], $0x480  }
0x2f: {  	[sflag:s22] =	ssyncset.done $0x0;
	s14 =	rddreg [dreg:$0x9]  }
0x30: {  	s15 =	rddreg [dreg:$0x12];
	[sflag:s22] =	ssyncadd.s32 $0xFFFFFB80  }
0x31: {  	[spmem:s15], [sflag:s9] =	dma.local @p0 [hbm:s14], $0x1400  }
0x32: {  	s14 =	simm.s32 @p0 $0x5  }
0x33: {  	_ =	swait.ge @p0 [sflag:s14], $0x1400  }
0x34: {  	[sflag:s14] =	ssyncset.done @p0 $0x0;
	s15 =	rddreg [dreg:$0x13]  }
0x35: {  	[sflag:s14] =	ssyncadd.s32 @p0 $0xFFFFEC00;
	s14 =	rddreg [dreg:$0x8]  }
0x36: {  	[spmem:s15], [sflag:s9] =	dma.local @!p0 [hbm:s14], $0x1380  }
0x37: {  	s14 =	simm.s32 @!p0 $0x5  }
0x38: {  	_ =	swait.ge @!p0 [sflag:s14], $0x1380  }
0x39: {  	[sflag:s14] =	ssyncset.done @!p0 $0x0  }
0x3a: {  	[sflag:s14] =	ssyncadd.s32 @!p0 $0xFFFFEC80  }
0x3b: {  	[bflag:$0x0] =	sbarrier.arrive $0xFFFF  }
0x3c: {  	s21 =	simm.s32 $0xC4C0;
	s19 =	rddreg [dreg:$0xa]  }
0x3d: {  	[tilespmem:s21], [sflag:$0x3] =	stream.strided.gather [hbm4b:s19+s26], $0x100, s28, s26, $0x38;
	[tilespmem:$0x1C8C0] =	vst v63  }
0x3e: {  	s24 =	rddreg [dreg:$0xb]  }
0x3f: {  	[tilespmem:s30], [sflag:$0x3] =	stream.strided.gather [hbm4b:s24+s26], $0x100, s28, s26, $0x38;
	[tilespmem:$0x1C8C0] =	vst v63  }
0x40: {  	_ =	swait.ge [sflag:s31], $0x100  }
0x41: {  	[sflag:s31] =	ssyncset.done $0x0  }
0x42: {  	[sflag:s31] =	ssyncadd.s32 $0xFFFFFF00  }
0x43: {  	_ =	swait.ge [sflag:s31], $0x100  }
0x44: {  	[sflag:s31] =	ssyncset.done $0x0  }
0x45: {  	s25 =	rddreg [dreg:$0xc];
	[sflag:s31] =	ssyncadd.s32 $0xFFFFFF00  }
0x46: {  	[tilespmem:s1], [sflag:$0x1] =	stream.indirect.gather [spmem:s3], $0x80, s21, s0, $0xb8;
	[tilespmem:$0x1C8C0] =	vst v63  }
0x47: {  	s29 =	rddreg [dreg:$0xd]  }
0x48: {  	[tilespmem:s4], [sflag:$0x4] =	stream.strided.gather [hbm4b:s25+s26], $0x100, s28, s26, $0x38;
	[tilespmem:$0x1C8C0] =	vst v63  }
0x49: {  	s14 =	simm.s32 $0x0;
	s21 =	rddreg [dreg:$0x11]  }
0x4a: {  	[tilespmem:s6], [sflag:$0x4] =	stream.strided.gather [hbm4b:s29+s26], $0x100, s28, s26, $0x38;
	[tilespmem:$0x1C8C0] =	vst v63  }
.LBB2_2:
0x4b: {  	_ =	swait.ge [sflag:s7], $0x8000  }
0x4c: {  	[sflag:s7] =	ssyncset.done $0x0  }
0x4d: {  	[sflag:s7] =	ssyncadd.s32 $0xFFFF8000  }
0x4e: {  	_ =	swait.ge [sflag:s8], $0x100  }
0x4f: {  	[sflag:s8] =	ssyncset.done $0x0  }
0x50: {  	[sflag:s8] =	ssyncadd.s32 $0xFFFFFF00  }
0x51: {  	_ =	swait.ge [sflag:s8], $0x100  }
0x52: {  	[sflag:s8] =	ssyncset.done $0x0  }
0x53: {  	[sflag:s8] =	ssyncadd.s32 $0xFFFFFF00  }
0x54: {  	[tilespmem:s10], [sflag:$0x2] =	stream.indirect.gather [spmem:s3], $0x80, s4, s0, $0xb8;
	[tilespmem:$0x1C8C0] =	vst v63  }
0x55: {  	_ = 	snop  }
0x56: {  	[spmem:s2] =	stream.indirect.scatter.add.f32 [tilespmem:s1], [sflag:$0x5], $0x80, s30, s0, $0xb8;
	[tilespmem:$0x1C8C0] =	vst v63  }
0x57: {  	_ =	swait.ge [sflag:s22], $0x8000  }
0x58: {  	[sflag:s22] =	ssyncset.done $0x0  }
0x59: {  	[sflag:s22] =	ssyncadd.s32 $0xFFFF8000  }
0x5a: {  	v1 =	vld [tilespmem:$0xC6C0];
	_ =	sdelay $0x7  }
0x5b: {  	[tilespmem:v1+s23+$0x0] =	vst.idx.add.f32.msk $0xffff, v0  }
0x5c: {  	v1 =	vld [tilespmem:$0xC6D0];
	_ =	sdelay $0x7  }
0x5d: {  	[tilespmem:v1+s23+$0x0] =	vst.idx.add.f32.msk $0xffff, v0  }
0x5e: {  	v1 =	vld [tilespmem:$0xC6E0];
	_ =	sdelay $0x7  }
0x5f: {  	[tilespmem:v1+s23+$0x0] =	vst.idx.add.f32.msk $0xffff, v0  }
0x60: {  	v1 =	vld [tilespmem:$0xC6F0];
	_ =	sdelay $0x7  }
0x61: {  	[tilespmem:v1+s23+$0x0] =	vst.idx.add.f32.msk $0xffff, v0  }
0x62: {  	v1 =	vld [tilespmem:$0xC700];
	_ =	sdelay $0x7  }
0x63: {  	[tilespmem:v1+s23+$0x0] =	vst.idx.add.f32.msk $0xffff, v0  }
0x64: {  	v1 =	vld [tilespmem:$0xC710];
	_ =	sdelay $0x7  }
0x65: {  	[tilespmem:v1+s23+$0x0] =	vst.idx.add.f32.msk $0xffff, v0  }
0x66: {  	v1 =	vld [tilespmem:$0xC720];
	_ =	sdelay $0x7  }
0x67: {  	[tilespmem:v1+s23+$0x0] =	vst.idx.add.f32.msk $0xffff, v0  }
0x68: {  	v1 =	vld [tilespmem:$0xC730];
	_ =	sdelay $0x7  }
0x69: {  	[tilespmem:v1+s23+$0x0] =	vst.idx.add.f32.msk $0xffff, v0  }
0x6a: {  	v1 =	vld [tilespmem:$0xC740];
	_ =	sdelay $0x7  }
0x6b: {  	[tilespmem:v1+s23+$0x0] =	vst.idx.add.f32.msk $0xffff, v0  }
0x6c: {  	v1 =	vld [tilespmem:$0xC750];
	_ =	sdelay $0x7  }
0x6d: {  	[tilespmem:v1+s23+$0x0] =	vst.idx.add.f32.msk $0xffff, v0  }
0x6e: {  	v1 =	vld [tilespmem:$0xC760];
	_ =	sdelay $0x7  }
0x6f: {  	[tilespmem:v1+s23+$0x0] =	vst.idx.add.f32.msk $0xffff, v0  }
0x70: {  	v1 =	vld [tilespmem:$0xC770];
	_ =	sdelay $0x7  }
0x71: {  	[tilespmem:v1+s23+$0x0] =	vst.idx.add.f32.msk $0xffff, v0  }
0x72: {  	v1 =	vld [tilespmem:$0xC780];
	_ =	sdelay $0x7  }
0x73: {  	[tilespmem:v1+s23+$0x0] =	vst.idx.add.f32.msk $0xffff, v0  }
0x74: {  	v1 =	vld [tilespmem:$0xC790];
	_ =	sdelay $0x7  }
0x75: {  	[tilespmem:v1+s23+$0x0] =	vst.idx.add.f32.msk $0xffff, v0  }
0x76: {  	v1 =	vld [tilespmem:$0xC7A0];
	_ =	sdelay $0x7  }
0x77: {  	[tilespmem:v1+s23+$0x0] =	vst.idx.add.f32.msk $0xffff, v0  }
0x78: {  	v1 =	vld [tilespmem:$0xC7B0];
	_ =	sdelay $0x2  }
0x79: {  	p1 =	seq.s32 s14, $0x120  }
0x7a: {  	s19 =	sadd.s32 @!p1 s14, s20  }
0x7b: {  	s16 =	sadd.s32 @!p1 $0x80, s21;
	s18 =	sadd.s32 @!p1 $0x20, s19  }
0x7c: {  	s15 =	sand.u32 @!p1 $0xFFFFE00, s16;
	s18 =	sand.u32 @!p1 $0x60, s18  }
0x7d: {  	s29 =	simm.s32 @!p1 $0x80;
	s15 =	sor.u32 @!p1 s18, s15  }
0x7e: {  	s25 =	simm.s32 @!p1 $0x400;
	s18 =	simm.s32 @!p1 $0xC4C0;
	s24 =	sadd.s32 @!p1 s5, s15;
	[tilespmem:v1+s23+$0x0] =	vst.idx.add.f32.msk $0xffff, v0  }
0x7f: {  	[tilespmem:s18], [sflag:$0x3] =	stream.strided.gather @!p1 [hbm4b:s24+s29], $0x100, s25, s29, $0x38;
	[tilespmem:$0x1C8C0] =	vst v63  }
0x80: {  	s15 =	sadd.s32 @!p1 s15, s17;
	s24 =	simm.s32 @!p1 $0xC6C0  }
0x81: {  	[tilespmem:s24], [sflag:$0x3] =	stream.strided.gather @!p1 [hbm4b:s15+s29], $0x100, s25, s29, $0x38;
	[tilespmem:$0x1C8C0] =	vst v63  }
0x82: {  	_ =	swait.ge [sflag:s11], $0x8000  }
0x83: {  	[sflag:s11] =	ssyncset.done $0x0  }
0x84: {  	[sflag:s11] =	ssyncadd.s32 $0xFFFF8000  }
0x85: {  	[spmem:s2] =	stream.indirect.scatter.add.f32 [tilespmem:s10], [sflag:$0x5], $0x80, s6, s0, $0xb8;
	[tilespmem:$0x1C8C0] =	vst v63  }
0x86: {  	_ =	swait.ge [sflag:s22], $0x8000  }
0x87: {  	[sflag:s22] =	ssyncset.done $0x0  }
0x88: {  	[sflag:s22] =	ssyncadd.s32 $0xFFFF8000  }
0x89: {  	v1 =	vld [tilespmem:$0xC7C0];
	_ =	sdelay $0x7  }
0x8a: {  	[tilespmem:v1+s23+$0x0] =	vst.idx.add.f32.msk $0xffff, v0  }
0x8b: {  	v1 =	vld [tilespmem:$0xC7D0];
	_ =	sdelay $0x7  }
0x8c: {  	[tilespmem:v1+s23+$0x0] =	vst.idx.add.f32.msk $0xffff, v0  }
0x8d: {  	v1 =	vld [tilespmem:$0xC7E0];
	_ =	sdelay $0x7  }
0x8e: {  	[tilespmem:v1+s23+$0x0] =	vst.idx.add.f32.msk $0xffff, v0  }
0x8f: {  	v1 =	vld [tilespmem:$0xC7F0];
	_ =	sdelay $0x7  }
0x90: {  	[tilespmem:v1+s23+$0x0] =	vst.idx.add.f32.msk $0xffff, v0  }
0x91: {  	v1 =	vld [tilespmem:$0xC800];
	_ =	sdelay $0x7  }
0x92: {  	[tilespmem:v1+s23+$0x0] =	vst.idx.add.f32.msk $0xffff, v0  }
0x93: {  	v1 =	vld [tilespmem:$0xC810];
	_ =	sdelay $0x7  }
0x94: {  	[tilespmem:v1+s23+$0x0] =	vst.idx.add.f32.msk $0xffff, v0  }
0x95: {  	v1 =	vld [tilespmem:$0xC820];
	_ =	sdelay $0x7  }
0x96: {  	[tilespmem:v1+s23+$0x0] =	vst.idx.add.f32.msk $0xffff, v0  }
0x97: {  	v1 =	vld [tilespmem:$0xC830];
	_ =	sdelay $0x7  }
0x98: {  	[tilespmem:v1+s23+$0x0] =	vst.idx.add.f32.msk $0xffff, v0  }
0x99: {  	v1 =	vld [tilespmem:$0xC840];
	_ =	sdelay $0x7  }
0x9a: {  	[tilespmem:v1+s23+$0x0] =	vst.idx.add.f32.msk $0xffff, v0  }
0x9b: {  	v1 =	vld [tilespmem:$0xC850];
	_ =	sdelay $0x7  }
0x9c: {  	[tilespmem:v1+s23+$0x0] =	vst.idx.add.f32.msk $0xffff, v0  }
0x9d: {  	v1 =	vld [tilespmem:$0xC860];
	_ =	sdelay $0x7  }
0x9e: {  	[tilespmem:v1+s23+$0x0] =	vst.idx.add.f32.msk $0xffff, v0  }
0x9f: {  	v1 =	vld [tilespmem:$0xC870];
	_ =	sdelay $0x7  }
0xa0: {  	[tilespmem:v1+s23+$0x0] =	vst.idx.add.f32.msk $0xffff, v0  }
0xa1: {  	v1 =	vld [tilespmem:$0xC880];
	_ =	sdelay $0x7  }
0xa2: {  	[tilespmem:v1+s23+$0x0] =	vst.idx.add.f32.msk $0xffff, v0  }
0xa3: {  	v1 =	vld [tilespmem:$0xC890];
	_ =	sdelay $0x7  }
0xa4: {  	[tilespmem:v1+s23+$0x0] =	vst.idx.add.f32.msk $0xffff, v0  }
0xa5: {  	v1 =	vld [tilespmem:$0xC8A0];
	_ =	sdelay $0x7  }
0xa6: {  	[tilespmem:v1+s23+$0x0] =	vst.idx.add.f32.msk $0xffff, v0  }
0xa7: {  	v1 =	vld [tilespmem:$0xC8B0];
	_ =	sdelay $0x4  }
0xa8: {  	s19 =	sadd.s32 @!p1 $0x30, s19;
	s15 =	sadd.s32 @!p1 $0xC0, s21  }
0xa9: {  	s19 =	sand.u32 @!p1 $0x70, s19;
	s15 =	sand.u32 @!p1 $0xFFFFE00, s15  }
0xaa: {  	s15 =	sor.u32 @!p1 s19, s15  }
0xab: {  	s21 =	simm.s32 @!p1 $0xC5C0;
	s19 =	sadd.s32 @!p1 s5, s15;
	[tilespmem:v1+s23+$0x0] =	vst.idx.add.f32.msk $0xffff, v0  }
0xac: {  	[tilespmem:s21], [sflag:$0x4] =	stream.strided.gather @!p1 [hbm4b:s19+s29], $0x100, s25, s29, $0x38;
	[tilespmem:$0x1C8C0] =	vst v63  }
0xad: {  	s15 =	sadd.s32 @!p1 s15, s17;
	s19 =	simm.s32 @!p1 $0xC7C0  }
0xae: {  	[tilespmem:s19], [sflag:$0x4] =	stream.strided.gather @!p1 [hbm4b:s15+s29], $0x100, s25, s29, $0x38;
	[tilespmem:$0x1C8C0] =	vst v63  }
0xaf: {  	s15 =	simm.s32 @!p1 $0x3  }
0xb0: {  	_ =	swait.ge @!p1 [sflag:s15], $0x100  }
0xb1: {  	[sflag:s15] =	ssyncset.done @!p1 $0x0  }
0xb2: {  	[sflag:s15] =	ssyncadd.s32 @!p1 $0xFFFFFF00  }
0xb3: {  	s14 =	sadd.s32 @!p1 $0x20, s14;
	_ =	swait.ge @!p1 [sflag:s15], $0x100  }
0xb4: {  	p2 =	sne.s32 @!p1 s14, $0x140;
	[sflag:s15] =	ssyncset.done @!p1 $0x0  }
0xb5: {  	s19 =	simm.s32 @!p1 $0xC8C0;
	[sflag:s15] =	ssyncadd.s32 @!p1 $0xFFFFFF00;
	s15 =	simm.s32 @!p1 $0x100  }
0xb6: {  	[tilespmem:s19], [sflag:$0x1] =	stream.indirect.gather @!p1 [spmem:s3], $0x80, s18, s15, $0xb8;
	[tilespmem:$0x1C8C0] =	vst v63  }
0xb7: {  	p1 =	por p1, !p2  }
.Ltmp0:
0xb8: {  	_ = 	snop;
	(pc) =	sbr.rel @!p1 .LBB2_2-.Ltmp0, $2  }
0xb9: {  	_ =	sdelay $0x2  }
0xba: {  	s21 =	smov.u32 s16  }
0xbb: {  	[bflag:$0x0] =	sbarrier.arrive $0xFFFF  }
0xbc: {  	s14 =	rddreg [dreg:$0xf]  }
0xbd: {  	[hbm:s14], [sflag:s9] =	dma.local [spmem:s13], $0x480  }
0xbe: {  	_ =	swait.ge [sflag:s22], $0x480  }
0xbf: {  	[sflag:s22] =	ssyncset.done $0x0  }
0xc0: {  	s25 =	rddreg [dreg:$0xe];
	[sflag:s22] =	ssyncadd.s32 $0xFFFFFB80  }
0xc1: {  	[hbm4b:s25+s26] =	stream.strided.scatter [tilespmem:s23], [sflag:$0x5], $0x480, s28, s26, $0x38;
	[tilespmem:$0x1C8C0] =	vst v63  }
0xc2: {  	_ =	swait.ge [sflag:s22], $0x480  }
0xc3: {  	s12 =	sadd.s32 $0x1, s12;
	s29 =	rddreg [dreg:$0x10]  }
0xc4: {  	p1 =	sne.s32 s12, s29  }
.Ltmp1:
0xc5: {  	_ = 	snop;
	(pc) =	sbr.rel @p1 .LBB2_1-.Ltmp1, $3  }
0xc6: {  	_ =	sdelay $0x1  }
0xc7: {  	[sflag:s22] =	ssyncset.done $0x0  }
0xc8: {  	[sflag:s22] =	ssyncadd.s32 $0xFFFFFB80  }
0xc9: {  	_ =	sfence.sel $0x180000  }
0xca: {  	[bflag:$0x0] =	sbarrier.arrive $0xFFFF  }
0xcb: {  	_ =	strace $0x9000004A  }
0xcc: {  	s0 =	stileid.u32;
	[bflag:$0x2] =	sbarrier.arrive $0xFFFF  }
0xcd: {  	p0 =	sne.s32 s0, $0x0;
	s0 =	rddreg [dreg:$0x4]  }
0xce: {  	s0 =	sadd.s32 @!p0 $0x100000, s0  }
0xcf: {  	[sflag:s0] =	ssyncadd.tile.s32 @!p0 $0x1;
	_ =	shalt  }
.Lfunc_end2:
_tile_overlayer_lowered:
.L_overlay_start_2:
0xd0: {  	(tag) =	ssettag $0x2  }
0xd1: {  	s0 =	rddreg [dreg:$0x0];
	s2 =	stileid.u32  }
0xd2: {  	s1 =	rddreg [dreg:$0x1];
	p0 =	sne.s32 s2, $0x0  }
0xd3: {  	s3 =	rddreg [dreg:$0x2];
	[bflag:$0x3] =	sbarrier.arrive $0xFFFF;
	s2 =	simm.s32 @!p0 $0x1C05  }
0xd4: {  	[timem:s3], [sflag:s2] =	dma.local @!p0 [hbm:s0], s1  }
0xd5: {  	s0 =	simm.s32 @!p0 $0x5  }
0xd6: {  	_ =	swait.ge @!p0 [sflag:s0], s1  }
0xd7: {  	s1 =	ssub.s32 @!p0 $0x0, s1;
	[sflag:s0] =	ssyncset.done @!p0 $0x0  }
0xd8: {  	[sflag:s0] =	ssyncadd.s32 @!p0 s1  }
0xd9: {  	[bflag:$0x3] =	sbarrier.arrive $0xFFFF  }
0xda: {  	_ =	shalt  }

</sc_bundles>
